<compile_context>
chip_gen: v7x
topology: tpu7x:2x2x1
jax: 0.10.2.dev20260603
libtpu: 0.0.44.dev20260713+nightly
codegen_flags: <defaults>
</compile_context>

<pallas_src>
import functools
import math

import jax
import jax.numpy as jnp
from jax import lax
from jax.experimental import pallas as pl
from jax.experimental.pallas import tpu as pltpu
from jax.experimental.pallas import tpu_sc as plsc
from jax._src.pallas import mpmd as plmpmd

_LOG_MIN = math.log(0.0 + 1e-08)
_LOG_MAX = math.log(1.0)

_NS = 16
_L = 16
_T0 = 416
_T1 = 608


def _make_gather_clip(batch):
    assert (_T0 + _T1) * _NS == batch
    c0 = _T0 * _NS
    c1 = _T1 * _NS

    vec_mesh = plsc.VectorSubcoreMesh(core_axis_name="c", subcore_axis_name="s")
    scs_mesh = plsc.ScalarSubcoreMesh(axis_name="c")

    def scs_body(table_hbm, idx_hbm, out_hbm, idx_sh, idx_v, vals_v, rsem, dsem):
        del table_hbm, out_hbm, idx_v, vals_v, dsem
        cid = lax.axis_index("c")

        @pl.when(cid == 0)
        def _():
            pltpu.sync_copy(idx_hbm.at[pl.ds(0, c0)], idx_sh.at[pl.ds(0, c0)])

        @pl.when(cid == 1)
        def _():
            pltpu.sync_copy(idx_hbm.at[pl.ds(c0, c1)], idx_sh.at[pl.ds(0, c1)])

        for s in range(_NS):
            pltpu.semaphore_signal(rsem, 1, device_id={"s": s})

    def tec_body(table_hbm, idx_hbm, out_hbm, idx_sh, idx_v, vals_v, rsem, dsem):
        del idx_hbm
        cid = lax.axis_index("c")
        sid = lax.axis_index("s")
        pltpu.semaphore_wait(rsem, 1)

        def run(out_base, count):
            sl = pl.ds(0, count)
            pltpu.sync_copy(idx_sh.at[pl.ds(sid * count, count)], idx_v.at[sl])
            pltpu.async_copy(
                table_hbm.at[idx_v.at[sl]], vals_v.at[sl], dsem
            ).wait()
            for k in range(count // _L):
                ksl = pl.ds(k * _L, _L)
                v = vals_v[ksl]
                vals_v[ksl] = jnp.minimum(jnp.maximum(v, _LOG_MIN), _LOG_MAX)
            pltpu.sync_copy(vals_v.at[sl], out_hbm.at[pl.ds(out_base, count)])

        @pl.when(cid == 0)
        def _():
            run(sid * _T0, _T0)

        @pl.when(cid == 1)
        def _():
            run(c0 + sid * _T1, _T1)

    return plmpmd.mpmd_map(
        [(scs_mesh, scs_body), (vec_mesh, tec_body)],
        jax.ShapeDtypeStruct((batch,), jnp.float32),
        scratch_types=[
            (pltpu.VMEM_SHARED)((max(c0, c1),), jnp.int32),
            (pltpu.VMEM @ vec_mesh)((max(_T0, _T1),), jnp.int32),
            (pltpu.VMEM @ vec_mesh)((max(_T0, _T1),), jnp.float32),
            pltpu.SemaphoreType.REGULAR @ vec_mesh,
            pltpu.SemaphoreType.DMA @ vec_mesh,
        ],
    )


def kernel(log_coefs, coef_idxs):
    batch = coef_idxs.shape[0]
    out = _make_gather_clip(batch)(log_coefs, coef_idxs.astype(jnp.int32))
    return out.reshape(-1, 1)

# --- scband reference (transcript-rebuilt; emitter-appended) ---
"""Pipeline reference for scband-coefficients-33191507263565 (READ-ONLY COPY).

The authoritative reference and input builder live on the scoring server;
editing this copy changes nothing except your own understanding.
"""

import math
import jax, jax.numpy as jnp
import numpy as np

NUM_COEFS = 1000000
BATCH = 16384
LOG_MIN = math.log(0.0 + 1e-08)
LOG_MAX = math.log(1.0)


def setup_inputs(seed: int = 0) -> dict:
    key = jax.random.key(seed)
    k1, k2 = jax.random.split(key)
    coef_idxs = jax.random.randint(k1, (BATCH,), 0, NUM_COEFS, dtype=jnp.int64 if jax.config.read('jax_enable_x64') else jnp.int32)
    # Learned parameter: log_coefs of shape [num_coefs]. Torch init is a constant
    # (log(init_coef) == 0.0); we randomize strictly inside the clip range so the
    # computation (and any gradients) are well-defined away from clamp boundaries.
    log_coefs = jax.random.uniform(k2, (NUM_COEFS,), dtype=jnp.float32, minval=-5.0, maxval=-0.1)
    return {"log_coefs": log_coefs, "coef_idxs": coef_idxs}


def reference(log_coefs, coef_idxs):
    # num_coefs > 1 and coef_idxs is not None -> gather
    gathered = jnp.take(log_coefs, coef_idxs, axis=0)
    # clip_coef=True -> clamp to (log(coef_range[0]+1e-8), log(coef_range[1]))
    clipped = jnp.clip(gathered, LOG_MIN, LOG_MAX)
    return clipped.reshape(-1, 1)

if __name__ == "__main__":
    import jax
    _d = setup_inputs()
    print(jax.jit(kernel)(*tuple(_d.values())))

</pallas_src>

<mosaic_0001>
#map = affine_map<(d0) -> (0)>
#map1 = affine_map<(d0, d1) -> (0)>
module attributes {stable_mosaic.version = 14 : i64} {
  func.func @scs_body(%arg0: i32, %arg1: memref<1000000xf32, #tpu.memory_space<hbm>>, %arg2: memref<16384xi32, #tpu.memory_space<hbm>>, %arg3: memref<16384xf32, #tpu.memory_space<hbm>>, %arg4: memref<9728xi32, #tpu.memory_space<vmem_shared>>, %arg5: memref<608xi32, #tpu.memory_space<vmem, sc_vector_subcore>>, %arg6: memref<608xf32, #tpu.memory_space<vmem, sc_vector_subcore>>, %arg7: memref<!tpu.semaphore, #tpu.memory_space<semaphore_mem, sc_vector_subcore>>, %arg8: memref<!tpu.dma_semaphore, #tpu.memory_space<semaphore_mem, sc_vector_subcore>>) attributes {dimension_semantics = [#tpu.dimension_semantics<core_parallel>], iteration_bounds = array<i64: 2>, scalar_prefetch = 0 : i64, scratch_operands = 5 : i64, tpu.core_type = #tpu.core_type<sc_scalar_subcore>, window_params = [{transform_indices = #map}, {transform_indices = #map}, {transform_indices = #map}]} {
    %eq3A = arith.constant 0 : i32
    %eq3A_0 = arith.cmpi eq, %arg0, %eq3A : i32
    %convert_element_type3A = arith.extui %eq3A_0 : i1 to i32
    %cond3A = arith.constant 0 : i32
    %cond3A_1 = arith.cmpi ne, %convert_element_type3A, %cond3A : i32
    scf.if %cond3A_1 {
      "tpu.region"() ({
        %run_scoped3A = tpu.sem_alloc : memref<!tpu.dma_semaphore, #tpu.memory_space<semaphore_mem>>
        %dma_start3A = arith.constant 0 : i32
        %dma_start3A_38 = tpu.memref_slice %arg4[%dma_start3A] : memref<9728xi32, #tpu.memory_space<vmem_shared>> -> memref<6656xi32, #tpu.memory_space<vmem_shared>>
        %dma_start3A_39 = arith.constant 0 : i32
        %dma_start3A_40 = tpu.memref_slice %arg2[%dma_start3A_39] : memref<16384xi32, #tpu.memory_space<hbm>> -> memref<6656xi32, #tpu.memory_space<hbm>>
        tpu.enqueue_dma source(%dma_start3A_40 : memref<6656xi32, #tpu.memory_space<hbm>>) target(%dma_start3A_38 : memref<6656xi32, #tpu.memory_space<vmem_shared>>) target_semaphore(%run_scoped3A : memref<!tpu.dma_semaphore, #tpu.memory_space<semaphore_mem>>)
        %dma_wait3A = arith.constant 0 : i32
        %dma_wait3A_41 = tpu.memref_slice %arg4[%dma_wait3A] : memref<9728xi32, #tpu.memory_space<vmem_shared>> -> memref<6656xi32, #tpu.memory_space<vmem_shared>>
        %dma_wait3A_42 = arith.constant 0 : i32
        %dma_wait3A_43 = tpu.memref_slice %arg2[%dma_wait3A_42] : memref<16384xi32, #tpu.memory_space<hbm>> -> memref<6656xi32, #tpu.memory_space<hbm>>
        tpu.wait_dma2 semaphore(%run_scoped3A : memref<!tpu.dma_semaphore, #tpu.memory_space<semaphore_mem>>) src(%dma_wait3A_43 : memref<6656xi32, #tpu.memory_space<hbm>>) dst(%dma_wait3A_41 : memref<6656xi32, #tpu.memory_space<vmem_shared>>)
        tpu.yield
      }) : () -> ()
    } else {
    }
    %eq3A_2 = arith.constant 1 : i32
    %eq3A_3 = arith.cmpi eq, %arg0, %eq3A_2 : i32
    %convert_element_type3A_4 = arith.extui %eq3A_3 : i1 to i32
    %cond3A_5 = arith.constant 0 : i32
    %cond3A_6 = arith.cmpi ne, %convert_element_type3A_4, %cond3A_5 : i32
    scf.if %cond3A_6 {
      "tpu.region"() ({
        %run_scoped3A = tpu.sem_alloc : memref<!tpu.dma_semaphore, #tpu.memory_space<semaphore_mem>>
        %dma_start3A = arith.constant 0 : i32
        %dma_start3A_38 = tpu.memref_slice %arg4[%dma_start3A] : memref<9728xi32, #tpu.memory_space<vmem_shared>> -> memref<9728xi32, #tpu.memory_space<vmem_shared>>
        %dma_start3A_39 = arith.constant 6656 : i32
        %dma_start3A_40 = tpu.memref_slice %arg2[%dma_start3A_39] : memref<16384xi32, #tpu.memory_space<hbm>> -> memref<9728xi32, #tpu.memory_space<hbm>>
        tpu.enqueue_dma source(%dma_start3A_40 : memref<9728xi32, #tpu.memory_space<hbm>>) target(%dma_start3A_38 : memref<9728xi32, #tpu.memory_space<vmem_shared>>) target_semaphore(%run_scoped3A : memref<!tpu.dma_semaphore, #tpu.memory_space<semaphore_mem>>)
        %dma_wait3A = arith.constant 0 : i32
        %dma_wait3A_41 = tpu.memref_slice %arg4[%dma_wait3A] : memref<9728xi32, #tpu.memory_space<vmem_shared>> -> memref<9728xi32, #tpu.memory_space<vmem_shared>>
        %dma_wait3A_42 = arith.constant 6656 : i32
        %dma_wait3A_43 = tpu.memref_slice %arg2[%dma_wait3A_42] : memref<16384xi32, #tpu.memory_space<hbm>> -> memref<9728xi32, #tpu.memory_space<hbm>>
        tpu.wait_dma2 semaphore(%run_scoped3A : memref<!tpu.dma_semaphore, #tpu.memory_space<semaphore_mem>>) src(%dma_wait3A_43 : memref<9728xi32, #tpu.memory_space<hbm>>) dst(%dma_wait3A_41 : memref<9728xi32, #tpu.memory_space<vmem_shared>>)
        tpu.yield
      }) : () -> ()
    } else {
    }
    %semaphore_signal3A = arith.constant 1 : i32
    %semaphore_signal3A_7 = arith.constant 0 : i32
    tpu.sem_signal %arg7, %semaphore_signal3A core_id %arg0 subcore_id %semaphore_signal3A_7 : memref<!tpu.semaphore, #tpu.memory_space<semaphore_mem, sc_vector_subcore>>
    %semaphore_signal3A_8 = arith.constant 1 : i32
    %semaphore_signal3A_9 = arith.constant 1 : i32
    tpu.sem_signal %arg7, %semaphore_signal3A_8 core_id %arg0 subcore_id %semaphore_signal3A_9 : memref<!tpu.semaphore, #tpu.memory_space<semaphore_mem, sc_vector_subcore>>
    %semaphore_signal3A_10 = arith.constant 1 : i32
    %semaphore_signal3A_11 = arith.constant 2 : i32
    tpu.sem_signal %arg7, %semaphore_signal3A_10 core_id %arg0 subcore_id %semaphore_signal3A_11 : memref<!tpu.semaphore, #tpu.memory_space<semaphore_mem, sc_vector_subcore>>
    %semaphore_signal3A_12 = arith.constant 1 : i32
    %semaphore_signal3A_13 = arith.constant 3 : i32
    tpu.sem_signal %arg7, %semaphore_signal3A_12 core_id %arg0 subcore_id %semaphore_signal3A_13 : memref<!tpu.semaphore, #tpu.memory_space<semaphore_mem, sc_vector_subcore>>
    %semaphore_signal3A_14 = arith.constant 1 : i32
    %semaphore_signal3A_15 = arith.constant 4 : i32
    tpu.sem_signal %arg7, %semaphore_signal3A_14 core_id %arg0 subcore_id %semaphore_signal3A_15 : memref<!tpu.semaphore, #tpu.memory_space<semaphore_mem, sc_vector_subcore>>
    %semaphore_signal3A_16 = arith.constant 1 : i32
    %semaphore_signal3A_17 = arith.constant 5 : i32
    tpu.sem_signal %arg7, %semaphore_signal3A_16 core_id %arg0 subcore_id %semaphore_signal3A_17 : memref<!tpu.semaphore, #tpu.memory_space<semaphore_mem, sc_vector_subcore>>
    %semaphore_signal3A_18 = arith.constant 1 : i32
    %semaphore_signal3A_19 = arith.constant 6 : i32
    tpu.sem_signal %arg7, %semaphore_signal3A_18 core_id %arg0 subcore_id %semaphore_signal3A_19 : memref<!tpu.semaphore, #tpu.memory_space<semaphore_mem, sc_vector_subcore>>
    %semaphore_signal3A_20 = arith.constant 1 : i32
    %semaphore_signal3A_21 = arith.constant 7 : i32
    tpu.sem_signal %arg7, %semaphore_signal3A_20 core_id %arg0 subcore_id %semaphore_signal3A_21 : memref<!tpu.semaphore, #tpu.memory_space<semaphore_mem, sc_vector_subcore>>
    %semaphore_signal3A_22 = arith.constant 1 : i32
    %semaphore_signal3A_23 = arith.constant 8 : i32
    tpu.sem_signal %arg7, %semaphore_signal3A_22 core_id %arg0 subcore_id %semaphore_signal3A_23 : memref<!tpu.semaphore, #tpu.memory_space<semaphore_mem, sc_vector_subcore>>
    %semaphore_signal3A_24 = arith.constant 1 : i32
    %semaphore_signal3A_25 = arith.constant 9 : i32
    tpu.sem_signal %arg7, %semaphore_signal3A_24 core_id %arg0 subcore_id %semaphore_signal3A_25 : memref<!tpu.semaphore, #tpu.memory_space<semaphore_mem, sc_vector_subcore>>
    %semaphore_signal3A_26 = arith.constant 1 : i32
    %semaphore_signal3A_27 = arith.constant 10 : i32
    tpu.sem_signal %arg7, %semaphore_signal3A_26 core_id %arg0 subcore_id %semaphore_signal3A_27 : memref<!tpu.semaphore, #tpu.memory_space<semaphore_mem, sc_vector_subcore>>
    %semaphore_signal3A_28 = arith.constant 1 : i32
    %semaphore_signal3A_29 = arith.constant 11 : i32
    tpu.sem_signal %arg7, %semaphore_signal3A_28 core_id %arg0 subcore_id %semaphore_signal3A_29 : memref<!tpu.semaphore, #tpu.memory_space<semaphore_mem, sc_vector_subcore>>
    %semaphore_signal3A_30 = arith.constant 1 : i32
    %semaphore_signal3A_31 = arith.constant 12 : i32
    tpu.sem_signal %arg7, %semaphore_signal3A_30 core_id %arg0 subcore_id %semaphore_signal3A_31 : memref<!tpu.semaphore, #tpu.memory_space<semaphore_mem, sc_vector_subcore>>
    %semaphore_signal3A_32 = arith.constant 1 : i32
    %semaphore_signal3A_33 = arith.constant 13 : i32
    tpu.sem_signal %arg7, %semaphore_signal3A_32 core_id %arg0 subcore_id %semaphore_signal3A_33 : memref<!tpu.semaphore, #tpu.memory_space<semaphore_mem, sc_vector_subcore>>
    %semaphore_signal3A_34 = arith.constant 1 : i32
    %semaphore_signal3A_35 = arith.constant 14 : i32
    tpu.sem_signal %arg7, %semaphore_signal3A_34 core_id %arg0 subcore_id %semaphore_signal3A_35 : memref<!tpu.semaphore, #tpu.memory_space<semaphore_mem, sc_vector_subcore>>
    %semaphore_signal3A_36 = arith.constant 1 : i32
    %semaphore_signal3A_37 = arith.constant 15 : i32
    tpu.sem_signal %arg7, %semaphore_signal3A_36 core_id %arg0 subcore_id %semaphore_signal3A_37 : memref<!tpu.semaphore, #tpu.memory_space<semaphore_mem, sc_vector_subcore>>
    return
  }
  func.func @tec_body(%arg0: i32, %arg1: i32, %arg2: memref<1000000xf32, #tpu.memory_space<hbm>>, %arg3: memref<16384xi32, #tpu.memory_space<hbm>>, %arg4: memref<16384xf32, #tpu.memory_space<hbm>>, %arg5: memref<9728xi32, #tpu.memory_space<vmem_shared>>, %arg6: memref<608xi32, #tpu.memory_space<vmem>>, %arg7: memref<608xf32, #tpu.memory_space<vmem>>, %arg8: memref<!tpu.semaphore, #tpu.memory_space<semaphore_mem>>, %arg9: memref<!tpu.dma_semaphore, #tpu.memory_space<semaphore_mem>>) attributes {dimension_semantics = [#tpu.dimension_semantics<core_parallel>, #tpu.dimension_semantics<subcore_parallel>], iteration_bounds = array<i64: 2, 16>, scalar_prefetch = 0 : i64, scratch_operands = 5 : i64, tpu.core_type = #tpu.core_type<sc_vector_subcore>, window_params = [{transform_indices = #map1}, {transform_indices = #map1}, {transform_indices = #map1}]} {
    %semaphore_wait3A = arith.constant 1 : i32
    %semaphore_wait3A_0 = arith.constant true
    tpu.sem_wait %arg8, %semaphore_wait3A : memref<!tpu.semaphore, #tpu.memory_space<semaphore_mem>>
    %eq3A = arith.constant 0 : i32
    %eq3A_1 = arith.cmpi eq, %arg0, %eq3A : i32
    %convert_element_type3A = arith.extui %eq3A_1 : i1 to i32
    %cond3A = arith.constant 0 : i32
    %cond3A_2 = arith.cmpi ne, %convert_element_type3A, %cond3A : i32
    scf.if %cond3A_2 {
      %mul3A = arith.constant 416 : i32
      %mul3A_8 = arith.muli %arg1, %mul3A : i32
      %mul3A_9 = arith.constant 416 : i32
      %mul3A_10 = arith.muli %arg1, %mul3A_9 : i32
      "tpu.region"() ({
        %run_scoped3A = tpu.sem_alloc : memref<!tpu.dma_semaphore, #tpu.memory_space<semaphore_mem>>
        %dma_start3A_355 = arith.constant 0 : i32
        %dma_start3A_356 = tpu.memref_slice %arg6[%dma_start3A_355] : memref<608xi32, #tpu.memory_space<vmem>> -> memref<416xi32, #tpu.memory_space<vmem>>
        %dma_start3A_357 = tpu.memref_slice %arg5[%mul3A_10] : memref<9728xi32, #tpu.memory_space<vmem_shared>> -> memref<416xi32, #tpu.memory_space<vmem_shared>>
        %dma_start3A_358 = arith.constant 0 : i32
        %dma_start3A_359 = tpu.memref_slice %arg6[%dma_start3A_358] : memref<608xi32, #tpu.memory_space<vmem>> -> memref<416xi32, #tpu.memory_space<vmem>>
        %dma_start3A_360 = tpu.memref_slice %arg5[%mul3A_10] : memref<9728xi32, #tpu.memory_space<vmem_shared>> -> memref<416xi32, #tpu.memory_space<vmem_shared>>
        tpu.enqueue_dma source(%dma_start3A_360 : memref<416xi32, #tpu.memory_space<vmem_shared>>) target(%dma_start3A_359 : memref<416xi32, #tpu.memory_space<vmem>>) target_semaphore(%run_scoped3A : memref<!tpu.dma_semaphore, #tpu.memory_space<semaphore_mem>>)
        %dma_wait3A_361 = arith.constant 0 : i32
        %dma_wait3A_362 = tpu.memref_slice %arg6[%dma_wait3A_361] : memref<608xi32, #tpu.memory_space<vmem>> -> memref<416xi32, #tpu.memory_space<vmem>>
        %dma_wait3A_363 = tpu.memref_slice %arg5[%mul3A_10] : memref<9728xi32, #tpu.memory_space<vmem_shared>> -> memref<416xi32, #tpu.memory_space<vmem_shared>>
        %dma_wait3A_364 = arith.constant 0 : i32
        %dma_wait3A_365 = tpu.memref_slice %arg6[%dma_wait3A_364] : memref<608xi32, #tpu.memory_space<vmem>> -> memref<416xi32, #tpu.memory_space<vmem>>
        %dma_wait3A_366 = tpu.memref_slice %arg5[%mul3A_10] : memref<9728xi32, #tpu.memory_space<vmem_shared>> -> memref<416xi32, #tpu.memory_space<vmem_shared>>
        tpu.wait_dma2 semaphore(%run_scoped3A : memref<!tpu.dma_semaphore, #tpu.memory_space<semaphore_mem>>) src(%dma_wait3A_366 : memref<416xi32, #tpu.memory_space<vmem_shared>>) dst(%dma_wait3A_365 : memref<416xi32, #tpu.memory_space<vmem>>)
        tpu.yield
      }) : () -> ()
      %dma_start3A = arith.constant 0 : i32
      %dma_start3A_11 = tpu.memref_slice %arg7[%dma_start3A] : memref<608xf32, #tpu.memory_space<vmem>> -> memref<416xf32, #tpu.memory_space<vmem>>
      %dma_start3A_12 = arith.constant 0 : i32
      %dma_start3A_13 = tpu.memref_slice %arg6[%dma_start3A_12] : memref<608xi32, #tpu.memory_space<vmem>> -> memref<416xi32, #tpu.memory_space<vmem>>
      %dma_start3A_14 = arith.constant 0 : i32
      %dma_start3A_15 = tpu.memref_slice %arg2[%dma_start3A_14] : memref<1000000xf32, #tpu.memory_space<hbm>> -> memref<1000000xf32, #tpu.memory_space<hbm>>
      tpu.enqueue_indirect_dma source(%dma_start3A_15 : memref<1000000xf32, #tpu.memory_space<hbm>>) target(%dma_start3A_11 : memref<416xf32, #tpu.memory_space<vmem>>) offsets(%dma_start3A_13 : memref<416xi32, #tpu.memory_space<vmem>>) semaphore(%arg9 : memref<!tpu.dma_semaphore, #tpu.memory_space<semaphore_mem>>)
      %dma_wait3A = arith.constant 0 : i32
      %dma_wait3A_16 = tpu.memref_slice %arg7[%dma_wait3A] : memref<608xf32, #tpu.memory_space<vmem>> -> memref<416xf32, #tpu.memory_space<vmem>>
      %dma_wait3A_17 = arith.constant 0 : i32
      %dma_wait3A_18 = tpu.memref_slice %arg6[%dma_wait3A_17] : memref<608xi32, #tpu.memory_space<vmem>> -> memref<416xi32, #tpu.memory_space<vmem>>
      %dma_wait3A_19 = arith.constant 0 : i32
      %dma_wait3A_20 = tpu.memref_slice %arg2[%dma_wait3A_19] : memref<1000000xf32, #tpu.memory_space<hbm>> -> memref<1000000xf32, #tpu.memory_space<hbm>>
      tpu.wait_indirect_dma semaphore(%arg9 : memref<!tpu.dma_semaphore, #tpu.memory_space<semaphore_mem>>) src(%dma_wait3A_20 : memref<1000000xf32, #tpu.memory_space<hbm>>) dst(%dma_wait3A_16 : memref<416xf32, #tpu.memory_space<vmem>>)
      %get3A = arith.constant 0 : index
      %get3A_21 = tpu.vector_load %arg7[%get3A] {strides = array<i32>} : memref<608xf32, #tpu.memory_space<vmem>>, vector<16xf32>,
      %get3A_22 = vector.shape_cast %get3A_21 : vector<16xf32> to vector<16xf32>
      %max3A = arith.constant -18.420681 : f32
      %max3A_23 = vector.broadcast %max3A : f32 to vector<16xf32>
      %max3A_24 = arith.maximumf %get3A_22, %max3A_23 : vector<16xf32>
      %min3A = arith.constant 0.000000e+00 : f32
      %min3A_25 = vector.broadcast %min3A : f32 to vector<16xf32>
      %min3A_26 = arith.minimumf %max3A_24, %min3A_25 : vector<16xf32>
      %swap3A = arith.constant 0 : index
      %swap3A_27 = tpu.vector_load %arg7[%swap3A] {strides = array<i32>} : memref<608xf32, #tpu.memory_space<vmem>>, vector<16xf32>,
      %swap3A_28 = vector.shape_cast %swap3A_27 : vector<16xf32> to vector<16xf32>
      %swap3A_29 = vector.shape_cast %min3A_26 : vector<16xf32> to vector<16xf32>
      tpu.vector_store %arg7[%swap3A], %swap3A_29 {strides = array<i32>} : memref<608xf32, #tpu.memory_space<vmem>>, vector<16xf32>,
      %get3A_30 = arith.constant 16 : index
      %get3A_31 = tpu.vector_load %arg7[%get3A_30] {strides = array<i32>} : memref<608xf32, #tpu.memory_space<vmem>>, vector<16xf32>,
      %get3A_32 = vector.shape_cast %get3A_31 : vector<16xf32> to vector<16xf32>
      %max3A_33 = arith.constant -18.420681 : f32
      %max3A_34 = vector.broadcast %max3A_33 : f32 to vector<16xf32>
      %max3A_35 = arith.maximumf %get3A_32, %max3A_34 : vector<16xf32>
      %min3A_36 = arith.constant 0.000000e+00 : f32
      %min3A_37 = vector.broadcast %min3A_36 : f32 to vector<16xf32>
      %min3A_38 = arith.minimumf %max3A_35, %min3A_37 : vector<16xf32>
      %swap3A_39 = arith.constant 16 : index
      %swap3A_40 = tpu.vector_load %arg7[%swap3A_39] {strides = array<i32>} : memref<608xf32, #tpu.memory_space<vmem>>, vector<16xf32>,
      %swap3A_41 = vector.shape_cast %swap3A_40 : vector<16xf32> to vector<16xf32>
      %swap3A_42 = vector.shape_cast %min3A_38 : vector<16xf32> to vector<16xf32>
      tpu.vector_store %arg7[%swap3A_39], %swap3A_42 {strides = array<i32>} : memref<608xf32, #tpu.memory_space<vmem>>, vector<16xf32>,
      %get3A_43 = arith.constant 32 : index
      %get3A_44 = tpu.vector_load %arg7[%get3A_43] {strides = array<i32>} : memref<608xf32, #tpu.memory_space<vmem>>, vector<16xf32>,
      %get3A_45 = vector.shape_cast %get3A_44 : vector<16xf32> to vector<16xf32>
      %max3A_46 = arith.constant -18.420681 : f32
      %max3A_47 = vector.broadcast %max3A_46 : f32 to vector<16xf32>
      %max3A_48 = arith.maximumf %get3A_45, %max3A_47 : vector<16xf32>
      %min3A_49 = arith.constant 0.000000e+00 : f32
      %min3A_50 = vector.broadcast %min3A_49 : f32 to vector<16xf32>
      %min3A_51 = arith.minimumf %max3A_48, %min3A_50 : vector<16xf32>
      %swap3A_52 = arith.constant 32 : index
      %swap3A_53 = tpu.vector_load %arg7[%swap3A_52] {strides = array<i32>} : memref<608xf32, #tpu.memory_space<vmem>>, vector<16xf32>,
      %swap3A_54 = vector.shape_cast %swap3A_53 : vector<16xf32> to vector<16xf32>
      %swap3A_55 = vector.shape_cast %min3A_51 : vector<16xf32> to vector<16xf32>
      tpu.vector_store %arg7[%swap3A_52], %swap3A_55 {strides = array<i32>} : memref<608xf32, #tpu.memory_space<vmem>>, vector<16xf32>,
      %get3A_56 = arith.constant 48 : index
      %get3A_57 = tpu.vector_load %arg7[%get3A_56] {strides = array<i32>} : memref<608xf32, #tpu.memory_space<vmem>>, vector<16xf32>,
      %get3A_58 = vector.shape_cast %get3A_57 : vector<16xf32> to vector<16xf32>
      %max3A_59 = arith.constant -18.420681 : f32
      %max3A_60 = vector.broadcast %max3A_59 : f32 to vector<16xf32>
      %max3A_61 = arith.maximumf %get3A_58, %max3A_60 : vector<16xf32>
      %min3A_62 = arith.constant 0.000000e+00 : f32
      %min3A_63 = vector.broadcast %min3A_62 : f32 to vector<16xf32>
      %min3A_64 = arith.minimumf %max3A_61, %min3A_63 : vector<16xf32>
      %swap3A_65 = arith.constant 48 : index
      %swap3A_66 = tpu.vector_load %arg7[%swap3A_65] {strides = array<i32>} : memref<608xf32, #tpu.memory_space<vmem>>, vector<16xf32>,
      %swap3A_67 = vector.shape_cast %swap3A_66 : vector<16xf32> to vector<16xf32>
      %swap3A_68 = vector.shape_cast %min3A_64 : vector<16xf32> to vector<16xf32>
      tpu.vector_store %arg7[%swap3A_65], %swap3A_68 {strides = array<i32>} : memref<608xf32, #tpu.memory_space<vmem>>, vector<16xf32>,
      %get3A_69 = arith.constant 64 : index
      %get3A_70 = tpu.vector_load %arg7[%get3A_69] {strides = array<i32>} : memref<608xf32, #tpu.memory_space<vmem>>, vector<16xf32>,
      %get3A_71 = vector.shape_cast %get3A_70 : vector<16xf32> to vector<16xf32>
      %max3A_72 = arith.constant -18.420681 : f32
      %max3A_73 = vector.broadcast %max3A_72 : f32 to vector<16xf32>
      %max3A_74 = arith.maximumf %get3A_71, %max3A_73 : vector<16xf32>
      %min3A_75 = arith.constant 0.000000e+00 : f32
      %min3A_76 = vector.broadcast %min3A_75 : f32 to vector<16xf32>
      %min3A_77 = arith.minimumf %max3A_74, %min3A_76 : vector<16xf32>
      %swap3A_78 = arith.constant 64 : index
      %swap3A_79 = tpu.vector_load %arg7[%swap3A_78] {strides = array<i32>} : memref<608xf32, #tpu.memory_space<vmem>>, vector<16xf32>,
      %swap3A_80 = vector.shape_cast %swap3A_79 : vector<16xf32> to vector<16xf32>
      %swap3A_81 = vector.shape_cast %min3A_77 : vector<16xf32> to vector<16xf32>
      tpu.vector_store %arg7[%swap3A_78], %swap3A_81 {strides = array<i32>} : memref<608xf32, #tpu.memory_space<vmem>>, vector<16xf32>,
      %get3A_82 = arith.constant 80 : index
      %get3A_83 = tpu.vector_load %arg7[%get3A_82] {strides = array<i32>} : memref<608xf32, #tpu.memory_space<vmem>>, vector<16xf32>,
      %get3A_84 = vector.shape_cast %get3A_83 : vector<16xf32> to vector<16xf32>
      %max3A_85 = arith.constant -18.420681 : f32
      %max3A_86 = vector.broadcast %max3A_85 : f32 to vector<16xf32>
      %max3A_87 = arith.maximumf %get3A_84, %max3A_86 : vector<16xf32>
      %min3A_88 = arith.constant 0.000000e+00 : f32
      %min3A_89 = vector.broadcast %min3A_88 : f32 to vector<16xf32>
      %min3A_90 = arith.minimumf %max3A_87, %min3A_89 : vector<16xf32>
      %swap3A_91 = arith.constant 80 : index
      %swap3A_92 = tpu.vector_load %arg7[%swap3A_91] {strides = array<i32>} : memref<608xf32, #tpu.memory_space<vmem>>, vector<16xf32>,
      %swap3A_93 = vector.shape_cast %swap3A_92 : vector<16xf32> to vector<16xf32>
      %swap3A_94 = vector.shape_cast %min3A_90 : vector<16xf32> to vector<16xf32>
      tpu.vector_store %arg7[%swap3A_91], %swap3A_94 {strides = array<i32>} : memref<608xf32, #tpu.memory_space<vmem>>, vector<16xf32>,
      %get3A_95 = arith.constant 96 : index
      %get3A_96 = tpu.vector_load %arg7[%get3A_95] {strides = array<i32>} : memref<608xf32, #tpu.memory_space<vmem>>, vector<16xf32>,
      %get3A_97 = vector.shape_cast %get3A_96 : vector<16xf32> to vector<16xf32>
      %max3A_98 = arith.constant -18.420681 : f32
      %max3A_99 = vector.broadcast %max3A_98 : f32 to vector<16xf32>
      %max3A_100 = arith.maximumf %get3A_97, %max3A_99 : vector<16xf32>
      %min3A_101 = arith.constant 0.000000e+00 : f32
      %min3A_102 = vector.broadcast %min3A_101 : f32 to vector<16xf32>
      %min3A_103 = arith.minimumf %max3A_100, %min3A_102 : vector<16xf32>
      %swap3A_104 = arith.constant 96 : index
      %swap3A_105 = tpu.vector_load %arg7[%swap3A_104] {strides = array<i32>} : memref<608xf32, #tpu.memory_space<vmem>>, vector<16xf32>,
      %swap3A_106 = vector.shape_cast %swap3A_105 : vector<16xf32> to vector<16xf32>
      %swap3A_107 = vector.shape_cast %min3A_103 : vector<16xf32> to vector<16xf32>
      tpu.vector_store %arg7[%swap3A_104], %swap3A_107 {strides = array<i32>} : memref<608xf32, #tpu.memory_space<vmem>>, vector<16xf32>,
      %get3A_108 = arith.constant 112 : index
      %get3A_109 = tpu.vector_load %arg7[%get3A_108] {strides = array<i32>} : memref<608xf32, #tpu.memory_space<vmem>>, vector<16xf32>,
      %get3A_110 = vector.shape_cast %get3A_109 : vector<16xf32> to vector<16xf32>
      %max3A_111 = arith.constant -18.420681 : f32
      %max3A_112 = vector.broadcast %max3A_111 : f32 to vector<16xf32>
      %max3A_113 = arith.maximumf %get3A_110, %max3A_112 : vector<16xf32>
      %min3A_114 = arith.constant 0.000000e+00 : f32
      %min3A_115 = vector.broadcast %min3A_114 : f32 to vector<16xf32>
      %min3A_116 = arith.minimumf %max3A_113, %min3A_115 : vector<16xf32>
      %swap3A_117 = arith.constant 112 : index
      %swap3A_118 = tpu.vector_load %arg7[%swap3A_117] {strides = array<i32>} : memref<608xf32, #tpu.memory_space<vmem>>, vector<16xf32>,
      %swap3A_119 = vector.shape_cast %swap3A_118 : vector<16xf32> to vector<16xf32>
      %swap3A_120 = vector.shape_cast %min3A_116 : vector<16xf32> to vector<16xf32>
      tpu.vector_store %arg7[%swap3A_117], %swap3A_120 {strides = array<i32>} : memref<608xf32, #tpu.memory_space<vmem>>, vector<16xf32>,
      %get3A_121 = arith.constant 128 : index
      %get3A_122 = tpu.vector_load %arg7[%get3A_121] {strides = array<i32>} : memref<608xf32, #tpu.memory_space<vmem>>, vector<16xf32>,
      %get3A_123 = vector.shape_cast %get3A_122 : vector<16xf32> to vector<16xf32>
      %max3A_124 = arith.constant -18.420681 : f32
      %max3A_125 = vector.broadcast %max3A_124 : f32 to vector<16xf32>
      %max3A_126 = arith.maximumf %get3A_123, %max3A_125 : vector<16xf32>
      %min3A_127 = arith.constant 0.000000e+00 : f32
      %min3A_128 = vector.broadcast %min3A_127 : f32 to vector<16xf32>
      %min3A_129 = arith.minimumf %max3A_126, %min3A_128 : vector<16xf32>
      %swap3A_130 = arith.constant 128 : index
      %swap3A_131 = tpu.vector_load %arg7[%swap3A_130] {strides = array<i32>} : memref<608xf32, #tpu.memory_space<vmem>>, vector<16xf32>,
      %swap3A_132 = vector.shape_cast %swap3A_131 : vector<16xf32> to vector<16xf32>
      %swap3A_133 = vector.shape_cast %min3A_129 : vector<16xf32> to vector<16xf32>
      tpu.vector_store %arg7[%swap3A_130], %swap3A_133 {strides = array<i32>} : memref<608xf32, #tpu.memory_space<vmem>>, vector<16xf32>,
      %get3A_134 = arith.constant 144 : index
      %get3A_135 = tpu.vector_load %arg7[%get3A_134] {strides = array<i32>} : memref<608xf32, #tpu.memory_space<vmem>>, vector<16xf32>,
      %get3A_136 = vector.shape_cast %get3A_135 : vector<16xf32> to vector<16xf32>
      %max3A_137 = arith.constant -18.420681 : f32
      %max3A_138 = vector.broadcast %max3A_137 : f32 to vector<16xf32>
      %max3A_139 = arith.maximumf %get3A_136, %max3A_138 : vector<16xf32>
      %min3A_140 = arith.constant 0.000000e+00 : f32
      %min3A_141 = vector.broadcast %min3A_140 : f32 to vector<16xf32>
      %min3A_142 = arith.minimumf %max3A_139, %min3A_141 : vector<16xf32>
      %swap3A_143 = arith.constant 144 : index
      %swap3A_144 = tpu.vector_load %arg7[%swap3A_143] {strides = array<i32>} : memref<608xf32, #tpu.memory_space<vmem>>, vector<16xf32>,
      %swap3A_145 = vector.shape_cast %swap3A_144 : vector<16xf32> to vector<16xf32>
      %swap3A_146 = vector.shape_cast %min3A_142 : vector<16xf32> to vector<16xf32>
      tpu.vector_store %arg7[%swap3A_143], %swap3A_146 {strides = array<i32>} : memref<608xf32, #tpu.memory_space<vmem>>, vector<16xf32>,
      %get3A_147 = arith.constant 160 : index
      %get3A_148 = tpu.vector_load %arg7[%get3A_147] {strides = array<i32>} : memref<608xf32, #tpu.memory_space<vmem>>, vector<16xf32>,
      %get3A_149 = vector.shape_cast %get3A_148 : vector<16xf32> to vector<16xf32>
      %max3A_150 = arith.constant -18.420681 : f32
      %max3A_151 = vector.broadcast %max3A_150 : f32 to vector<16xf32>
      %max3A_152 = arith.maximumf %get3A_149, %max3A_151 : vector<16xf32>
      %min3A_153 = arith.constant 0.000000e+00 : f32
      %min3A_154 = vector.broadcast %min3A_153 : f32 to vector<16xf32>
      %min3A_155 = arith.minimumf %max3A_152, %min3A_154 : vector<16xf32>
      %swap3A_156 = arith.constant 160 : index
      %swap3A_157 = tpu.vector_load %arg7[%swap3A_156] {strides = array<i32>} : memref<608xf32, #tpu.memory_space<vmem>>, vector<16xf32>,
      %swap3A_158 = vector.shape_cast %swap3A_157 : vector<16xf32> to vector<16xf32>
      %swap3A_159 = vector.shape_cast %min3A_155 : vector<16xf32> to vector<16xf32>
      tpu.vector_store %arg7[%swap3A_156], %swap3A_159 {strides = array<i32>} : memref<608xf32, #tpu.memory_space<vmem>>, vector<16xf32>,
      %get3A_160 = arith.constant 176 : index
      %get3A_161 = tpu.vector_load %arg7[%get3A_160] {strides = array<i32>} : memref<608xf32, #tpu.memory_space<vmem>>, vector<16xf32>,
      %get3A_162 = vector.shape_cast %get3A_161 : vector<16xf32> to vector<16xf32>
      %max3A_163 = arith.constant -18.420681 : f32
      %max3A_164 = vector.broadcast %max3A_163 : f32 to vector<16xf32>
      %max3A_165 = arith.maximumf %get3A_162, %max3A_164 : vector<16xf32>
      %min3A_166 = arith.constant 0.000000e+00 : f32
      %min3A_167 = vector.broadcast %min3A_166 : f32 to vector<16xf32>
      %min3A_168 = arith.minimumf %max3A_165, %min3A_167 : vector<16xf32>
      %swap3A_169 = arith.constant 176 : index
      %swap3A_170 = tpu.vector_load %arg7[%swap3A_169] {strides = array<i32>} : memref<608xf32, #tpu.memory_space<vmem>>, vector<16xf32>,
      %swap3A_171 = vector.shape_cast %swap3A_170 : vector<16xf32> to vector<16xf32>
      %swap3A_172 = vector.shape_cast %min3A_168 : vector<16xf32> to vector<16xf32>
      tpu.vector_store %arg7[%swap3A_169], %swap3A_172 {strides = array<i32>} : memref<608xf32, #tpu.memory_space<vmem>>, vector<16xf32>,
      %get3A_173 = arith.constant 192 : index
      %get3A_174 = tpu.vector_load %arg7[%get3A_173] {strides = array<i32>} : memref<608xf32, #tpu.memory_space<vmem>>, vector<16xf32>,
      %get3A_175 = vector.shape_cast %get3A_174 : vector<16xf32> to vector<16xf32>
      %max3A_176 = arith.constant -18.420681 : f32
      %max3A_177 = vector.broadcast %max3A_176 : f32 to vector<16xf32>
      %max3A_178 = arith.maximumf %get3A_175, %max3A_177 : vector<16xf32>
      %min3A_179 = arith.constant 0.000000e+00 : f32
      %min3A_180 = vector.broadcast %min3A_179 : f32 to vector<16xf32>
      %min3A_181 = arith.minimumf %max3A_178, %min3A_180 : vector<16xf32>
      %swap3A_182 = arith.constant 192 : index
      %swap3A_183 = tpu.vector_load %arg7[%swap3A_182] {strides = array<i32>} : memref<608xf32, #tpu.memory_space<vmem>>, vector<16xf32>,
      %swap3A_184 = vector.shape_cast %swap3A_183 : vector<16xf32> to vector<16xf32>
      %swap3A_185 = vector.shape_cast %min3A_181 : vector<16xf32> to vector<16xf32>
      tpu.vector_store %arg7[%swap3A_182], %swap3A_185 {strides = array<i32>} : memref<608xf32, #tpu.memory_space<vmem>>, vector<16xf32>,
      %get3A_186 = arith.constant 208 : index
      %get3A_187 = tpu.vector_load %arg7[%get3A_186] {strides = array<i32>} : memref<608xf32, #tpu.memory_space<vmem>>, vector<16xf32>,
      %get3A_188 = vector.shape_cast %get3A_187 : vector<16xf32> to vector<16xf32>
      %max3A_189 = arith.constant -18.420681 : f32
      %max3A_190 = vector.broadcast %max3A_189 : f32 to vector<16xf32>
      %max3A_191 = arith.maximumf %get3A_188, %max3A_190 : vector<16xf32>
      %min3A_192 = arith.constant 0.000000e+00 : f32
      %min3A_193 = vector.broadcast %min3A_192 : f32 to vector<16xf32>
      %min3A_194 = arith.minimumf %max3A_191, %min3A_193 : vector<16xf32>
      %swap3A_195 = arith.constant 208 : index
      %swap3A_196 = tpu.vector_load %arg7[%swap3A_195] {strides = array<i32>} : memref<608xf32, #tpu.memory_space<vmem>>, vector<16xf32>,
      %swap3A_197 = vector.shape_cast %swap3A_196 : vector<16xf32> to vector<16xf32>
      %swap3A_198 = vector.shape_cast %min3A_194 : vector<16xf32> to vector<16xf32>
      tpu.vector_store %arg7[%swap3A_195], %swap3A_198 {strides = array<i32>} : memref<608xf32, #tpu.memory_space<vmem>>, vector<16xf32>,
      %get3A_199 = arith.constant 224 : index
      %get3A_200 = tpu.vector_load %arg7[%get3A_199] {strides = array<i32>} : memref<608xf32, #tpu.memory_space<vmem>>, vector<16xf32>,
      %get3A_201 = vector.shape_cast %get3A_200 : vector<16xf32> to vector<16xf32>
      %max3A_202 = arith.constant -18.420681 : f32
      %max3A_203 = vector.broadcast %max3A_202 : f32 to vector<16xf32>
      %max3A_204 = arith.maximumf %get3A_201, %max3A_203 : vector<16xf32>
      %min3A_205 = arith.constant 0.000000e+00 : f32
      %min3A_206 = vector.broadcast %min3A_205 : f32 to vector<16xf32>
      %min3A_207 = arith.minimumf %max3A_204, %min3A_206 : vector<16xf32>
      %swap3A_208 = arith.constant 224 : index
      %swap3A_209 = tpu.vector_load %arg7[%swap3A_208] {strides = array<i32>} : memref<608xf32, #tpu.memory_space<vmem>>, vector<16xf32>,
      %swap3A_210 = vector.shape_cast %swap3A_209 : vector<16xf32> to vector<16xf32>
      %swap3A_211 = vector.shape_cast %min3A_207 : vector<16xf32> to vector<16xf32>
      tpu.vector_store %arg7[%swap3A_208], %swap3A_211 {strides = array<i32>} : memref<608xf32, #tpu.memory_space<vmem>>, vector<16xf32>,
      %get3A_212 = arith.constant 240 : index
      %get3A_213 = tpu.vector_load %arg7[%get3A_212] {strides = array<i32>} : memref<608xf32, #tpu.memory_space<vmem>>, vector<16xf32>,
      %get3A_214 = vector.shape_cast %get3A_213 : vector<16xf32> to vector<16xf32>
      %max3A_215 = arith.constant -18.420681 : f32
      %max3A_216 = vector.broadcast %max3A_215 : f32 to vector<16xf32>
      %max3A_217 = arith.maximumf %get3A_214, %max3A_216 : vector<16xf32>
      %min3A_218 = arith.constant 0.000000e+00 : f32
      %min3A_219 = vector.broadcast %min3A_218 : f32 to vector<16xf32>
      %min3A_220 = arith.minimumf %max3A_217, %min3A_219 : vector<16xf32>
      %swap3A_221 = arith.constant 240 : index
      %swap3A_222 = tpu.vector_load %arg7[%swap3A_221] {strides = array<i32>} : memref<608xf32, #tpu.memory_space<vmem>>, vector<16xf32>,
      %swap3A_223 = vector.shape_cast %swap3A_222 : vector<16xf32> to vector<16xf32>
      %swap3A_224 = vector.shape_cast %min3A_220 : vector<16xf32> to vector<16xf32>
      tpu.vector_store %arg7[%swap3A_221], %swap3A_224 {strides = array<i32>} : memref<608xf32, #tpu.memory_space<vmem>>, vector<16xf32>,
      %get3A_225 = arith.constant 256 : index
      %get3A_226 = tpu.vector_load %arg7[%get3A_225] {strides = array<i32>} : memref<608xf32, #tpu.memory_space<vmem>>, vector<16xf32>,
      %get3A_227 = vector.shape_cast %get3A_226 : vector<16xf32> to vector<16xf32>
      %max3A_228 = arith.constant -18.420681 : f32
      %max3A_229 = vector.broadcast %max3A_228 : f32 to vector<16xf32>
      %max3A_230 = arith.maximumf %get3A_227, %max3A_229 : vector<16xf32>
      %min3A_231 = arith.constant 0.000000e+00 : f32
      %min3A_232 = vector.broadcast %min3A_231 : f32 to vector<16xf32>
      %min3A_233 = arith.minimumf %max3A_230, %min3A_232 : vector<16xf32>
      %swap3A_234 = arith.constant 256 : index
      %swap3A_235 = tpu.vector_load %arg7[%swap3A_234] {strides = array<i32>} : memref<608xf32, #tpu.memory_space<vmem>>, vector<16xf32>,
      %swap3A_236 = vector.shape_cast %swap3A_235 : vector<16xf32> to vector<16xf32>
      %swap3A_237 = vector.shape_cast %min3A_233 : vector<16xf32> to vector<16xf32>
      tpu.vector_store %arg7[%swap3A_234], %swap3A_237 {strides = array<i32>} : memref<608xf32, #tpu.memory_space<vmem>>, vector<16xf32>,
      %get3A_238 = arith.constant 272 : index
      %get3A_239 = tpu.vector_load %arg7[%get3A_238] {strides = array<i32>} : memref<608xf32, #tpu.memory_space<vmem>>, vector<16xf32>,
      %get3A_240 = vector.shape_cast %get3A_239 : vector<16xf32> to vector<16xf32>
      %max3A_241 = arith.constant -18.420681 : f32
      %max3A_242 = vector.broadcast %max3A_241 : f32 to vector<16xf32>
      %max3A_243 = arith.maximumf %get3A_240, %max3A_242 : vector<16xf32>
      %min3A_244 = arith.constant 0.000000e+00 : f32
      %min3A_245 = vector.broadcast %min3A_244 : f32 to vector<16xf32>
      %min3A_246 = arith.minimumf %max3A_243, %min3A_245 : vector<16xf32>
      %swap3A_247 = arith.constant 272 : index
      %swap3A_248 = tpu.vector_load %arg7[%swap3A_247] {strides = array<i32>} : memref<608xf32, #tpu.memory_space<vmem>>, vector<16xf32>,
      %swap3A_249 = vector.shape_cast %swap3A_248 : vector<16xf32> to vector<16xf32>
      %swap3A_250 = vector.shape_cast %min3A_246 : vector<16xf32> to vector<16xf32>
      tpu.vector_store %arg7[%swap3A_247], %swap3A_250 {strides = array<i32>} : memref<608xf32, #tpu.memory_space<vmem>>, vector<16xf32>,
      %get3A_251 = arith.constant 288 : index
      %get3A_252 = tpu.vector_load %arg7[%get3A_251] {strides = array<i32>} : memref<608xf32, #tpu.memory_space<vmem>>, vector<16xf32>,
      %get3A_253 = vector.shape_cast %get3A_252 : vector<16xf32> to vector<16xf32>
      %max3A_254 = arith.constant -18.420681 : f32
      %max3A_255 = vector.broadcast %max3A_254 : f32 to vector<16xf32>
      %max3A_256 = arith.maximumf %get3A_253, %max3A_255 : vector<16xf32>
      %min3A_257 = arith.constant 0.000000e+00 : f32
      %min3A_258 = vector.broadcast %min3A_257 : f32 to vector<16xf32>
      %min3A_259 = arith.minimumf %max3A_256, %min3A_258 : vector<16xf32>
      %swap3A_260 = arith.constant 288 : index
      %swap3A_261 = tpu.vector_load %arg7[%swap3A_260] {strides = array<i32>} : memref<608xf32, #tpu.memory_space<vmem>>, vector<16xf32>,
      %swap3A_262 = vector.shape_cast %swap3A_261 : vector<16xf32> to vector<16xf32>
      %swap3A_263 = vector.shape_cast %min3A_259 : vector<16xf32> to vector<16xf32>
      tpu.vector_store %arg7[%swap3A_260], %swap3A_263 {strides = array<i32>} : memref<608xf32, #tpu.memory_space<vmem>>, vector<16xf32>,
      %get3A_264 = arith.constant 304 : index
      %get3A_265 = tpu.vector_load %arg7[%get3A_264] {strides = array<i32>} : memref<608xf32, #tpu.memory_space<vmem>>, vector<16xf32>,
      %get3A_266 = vector.shape_cast %get3A_265 : vector<16xf32> to vector<16xf32>
      %max3A_267 = arith.constant -18.420681 : f32
      %max3A_268 = vector.broadcast %max3A_267 : f32 to vector<16xf32>
      %max3A_269 = arith.maximumf %get3A_266, %max3A_268 : vector<16xf32>
      %min3A_270 = arith.constant 0.000000e+00 : f32
      %min3A_271 = vector.broadcast %min3A_270 : f32 to vector<16xf32>
      %min3A_272 = arith.minimumf %max3A_269, %min3A_271 : vector<16xf32>
      %swap3A_273 = arith.constant 304 : index
      %swap3A_274 = tpu.vector_load %arg7[%swap3A_273] {strides = array<i32>} : memref<608xf32, #tpu.memory_space<vmem>>, vector<16xf32>,
      %swap3A_275 = vector.shape_cast %swap3A_274 : vector<16xf32> to vector<16xf32>
      %swap3A_276 = vector.shape_cast %min3A_272 : vector<16xf32> to vector<16xf32>
      tpu.vector_store %arg7[%swap3A_273], %swap3A_276 {strides = array<i32>} : memref<608xf32, #tpu.memory_space<vmem>>, vector<16xf32>,
      %get3A_277 = arith.constant 320 : index
      %get3A_278 = tpu.vector_load %arg7[%get3A_277] {strides = array<i32>} : memref<608xf32, #tpu.memory_space<vmem>>, vector<16xf32>,
      %get3A_279 = vector.shape_cast %get3A_278 : vector<16xf32> to vector<16xf32>
      %max3A_280 = arith.constant -18.420681 : f32
      %max3A_281 = vector.broadcast %max3A_280 : f32 to vector<16xf32>
      %max3A_282 = arith.maximumf %get3A_279, %max3A_281 : vector<16xf32>
      %min3A_283 = arith.constant 0.000000e+00 : f32
      %min3A_284 = vector.broadcast %min3A_283 : f32 to vector<16xf32>
      %min3A_285 = arith.minimumf %max3A_282, %min3A_284 : vector<16xf32>
      %swap3A_286 = arith.constant 320 : index
      %swap3A_287 = tpu.vector_load %arg7[%swap3A_286] {strides = array<i32>} : memref<608xf32, #tpu.memory_space<vmem>>, vector<16xf32>,
      %swap3A_288 = vector.shape_cast %swap3A_287 : vector<16xf32> to vector<16xf32>
      %swap3A_289 = vector.shape_cast %min3A_285 : vector<16xf32> to vector<16xf32>
      tpu.vector_store %arg7[%swap3A_286], %swap3A_289 {strides = array<i32>} : memref<608xf32, #tpu.memory_space<vmem>>, vector<16xf32>,
      %get3A_290 = arith.constant 336 : index
      %get3A_291 = tpu.vector_load %arg7[%get3A_290] {strides = array<i32>} : memref<608xf32, #tpu.memory_space<vmem>>, vector<16xf32>,
      %get3A_292 = vector.shape_cast %get3A_291 : vector<16xf32> to vector<16xf32>
      %max3A_293 = arith.constant -18.420681 : f32
      %max3A_294 = vector.broadcast %max3A_293 : f32 to vector<16xf32>
      %max3A_295 = arith.maximumf %get3A_292, %max3A_294 : vector<16xf32>
      %min3A_296 = arith.constant 0.000000e+00 : f32
      %min3A_297 = vector.broadcast %min3A_296 : f32 to vector<16xf32>
      %min3A_298 = arith.minimumf %max3A_295, %min3A_297 : vector<16xf32>
      %swap3A_299 = arith.constant 336 : index
      %swap3A_300 = tpu.vector_load %arg7[%swap3A_299] {strides = array<i32>} : memref<608xf32, #tpu.memory_space<vmem>>, vector<16xf32>,
      %swap3A_301 = vector.shape_cast %swap3A_300 : vector<16xf32> to vector<16xf32>
      %swap3A_302 = vector.shape_cast %min3A_298 : vector<16xf32> to vector<16xf32>
      tpu.vector_store %arg7[%swap3A_299], %swap3A_302 {strides = array<i32>} : memref<608xf32, #tpu.memory_space<vmem>>, vector<16xf32>,
      %get3A_303 = arith.constant 352 : index
      %get3A_304 = tpu.vector_load %arg7[%get3A_303] {strides = array<i32>} : memref<608xf32, #tpu.memory_space<vmem>>, vector<16xf32>,
      %get3A_305 = vector.shape_cast %get3A_304 : vector<16xf32> to vector<16xf32>
      %max3A_306 = arith.constant -18.420681 : f32
      %max3A_307 = vector.broadcast %max3A_306 : f32 to vector<16xf32>
      %max3A_308 = arith.maximumf %get3A_305, %max3A_307 : vector<16xf32>
      %min3A_309 = arith.constant 0.000000e+00 : f32
      %min3A_310 = vector.broadcast %min3A_309 : f32 to vector<16xf32>
      %min3A_311 = arith.minimumf %max3A_308, %min3A_310 : vector<16xf32>
      %swap3A_312 = arith.constant 352 : index
      %swap3A_313 = tpu.vector_load %arg7[%swap3A_312] {strides = array<i32>} : memref<608xf32, #tpu.memory_space<vmem>>, vector<16xf32>,
      %swap3A_314 = vector.shape_cast %swap3A_313 : vector<16xf32> to vector<16xf32>
      %swap3A_315 = vector.shape_cast %min3A_311 : vector<16xf32> to vector<16xf32>
      tpu.vector_store %arg7[%swap3A_312], %swap3A_315 {strides = array<i32>} : memref<608xf32, #tpu.memory_space<vmem>>, vector<16xf32>,
      %get3A_316 = arith.constant 368 : index
      %get3A_317 = tpu.vector_load %arg7[%get3A_316] {strides = array<i32>} : memref<608xf32, #tpu.memory_space<vmem>>, vector<16xf32>,
      %get3A_318 = vector.shape_cast %get3A_317 : vector<16xf32> to vector<16xf32>
      %max3A_319 = arith.constant -18.420681 : f32
      %max3A_320 = vector.broadcast %max3A_319 : f32 to vector<16xf32>
      %max3A_321 = arith.maximumf %get3A_318, %max3A_320 : vector<16xf32>
      %min3A_322 = arith.constant 0.000000e+00 : f32
      %min3A_323 = vector.broadcast %min3A_322 : f32 to vector<16xf32>
      %min3A_324 = arith.minimumf %max3A_321, %min3A_323 : vector<16xf32>
      %swap3A_325 = arith.constant 368 : index
      %swap3A_326 = tpu.vector_load %arg7[%swap3A_325] {strides = array<i32>} : memref<608xf32, #tpu.memory_space<vmem>>, vector<16xf32>,
      %swap3A_327 = vector.shape_cast %swap3A_326 : vector<16xf32> to vector<16xf32>
      %swap3A_328 = vector.shape_cast %min3A_324 : vector<16xf32> to vector<16xf32>
      tpu.vector_store %arg7[%swap3A_325], %swap3A_328 {strides = array<i32>} : memref<608xf32, #tpu.memory_space<vmem>>, vector<16xf32>,
      %get3A_329 = arith.constant 384 : index
      %get3A_330 = tpu.vector_load %arg7[%get3A_329] {strides = array<i32>} : memref<608xf32, #tpu.memory_space<vmem>>, vector<16xf32>,
      %get3A_331 = vector.shape_cast %get3A_330 : vector<16xf32> to vector<16xf32>
      %max3A_332 = arith.constant -18.420681 : f32
      %max3A_333 = vector.broadcast %max3A_332 : f32 to vector<16xf32>
      %max3A_334 = arith.maximumf %get3A_331, %max3A_333 : vector<16xf32>
      %min3A_335 = arith.constant 0.000000e+00 : f32
      %min3A_336 = vector.broadcast %min3A_335 : f32 to vector<16xf32>
      %min3A_337 = arith.minimumf %max3A_334, %min3A_336 : vector<16xf32>
      %swap3A_338 = arith.constant 384 : index
      %swap3A_339 = tpu.vector_load %arg7[%swap3A_338] {strides = array<i32>} : memref<608xf32, #tpu.memory_space<vmem>>, vector<16xf32>,
      %swap3A_340 = vector.shape_cast %swap3A_339 : vector<16xf32> to vector<16xf32>
      %swap3A_341 = vector.shape_cast %min3A_337 : vector<16xf32> to vector<16xf32>
      tpu.vector_store %arg7[%swap3A_338], %swap3A_341 {strides = array<i32>} : memref<608xf32, #tpu.memory_space<vmem>>, vector<16xf32>,
      %get3A_342 = arith.constant 400 : index
      %get3A_343 = tpu.vector_load %arg7[%get3A_342] {strides = array<i32>} : memref<608xf32, #tpu.memory_space<vmem>>, vector<16xf32>,
      %get3A_344 = vector.shape_cast %get3A_343 : vector<16xf32> to vector<16xf32>
      %max3A_345 = arith.constant -18.420681 : f32
      %max3A_346 = vector.broadcast %max3A_345 : f32 to vector<16xf32>
      %max3A_347 = arith.maximumf %get3A_344, %max3A_346 : vector<16xf32>
      %min3A_348 = arith.constant 0.000000e+00 : f32
      %min3A_349 = vector.broadcast %min3A_348 : f32 to vector<16xf32>
      %min3A_350 = arith.minimumf %max3A_347, %min3A_349 : vector<16xf32>
      %swap3A_351 = arith.constant 400 : index
      %swap3A_352 = tpu.vector_load %arg7[%swap3A_351] {strides = array<i32>} : memref<608xf32, #tpu.memory_space<vmem>>, vector<16xf32>,
      %swap3A_353 = vector.shape_cast %swap3A_352 : vector<16xf32> to vector<16xf32>
      %swap3A_354 = vector.shape_cast %min3A_350 : vector<16xf32> to vector<16xf32>
      tpu.vector_store %arg7[%swap3A_351], %swap3A_354 {strides = array<i32>} : memref<608xf32, #tpu.memory_space<vmem>>, vector<16xf32>,
      "tpu.region"() ({
        %run_scoped3A = tpu.sem_alloc : memref<!tpu.dma_semaphore, #tpu.memory_space<semaphore_mem>>
        %dma_start3A_355 = arith.constant 0 : i32
        %dma_start3A_356 = tpu.memref_slice %arg7[%dma_start3A_355] : memref<608xf32, #tpu.memory_space<vmem>> -> memref<416xf32, #tpu.memory_space<vmem>>
        %dma_start3A_357 = tpu.memref_slice %arg4[%mul3A_8] : memref<16384xf32, #tpu.memory_space<hbm>> -> memref<416xf32, #tpu.memory_space<hbm>>
        %dma_start3A_358 = tpu.memref_slice %arg4[%mul3A_8] : memref<16384xf32, #tpu.memory_space<hbm>> -> memref<416xf32, #tpu.memory_space<hbm>>
        %dma_start3A_359 = arith.constant 0 : i32
        %dma_start3A_360 = tpu.memref_slice %arg7[%dma_start3A_359] : memref<608xf32, #tpu.memory_space<vmem>> -> memref<416xf32, #tpu.memory_space<vmem>>
        tpu.enqueue_dma source(%dma_start3A_360 : memref<416xf32, #tpu.memory_space<vmem>>) target(%dma_start3A_358 : memref<416xf32, #tpu.memory_space<hbm>>) target_semaphore(%run_scoped3A : memref<!tpu.dma_semaphore, #tpu.memory_space<semaphore_mem>>)
        %dma_wait3A_361 = arith.constant 0 : i32
        %dma_wait3A_362 = tpu.memref_slice %arg7[%dma_wait3A_361] : memref<608xf32, #tpu.memory_space<vmem>> -> memref<416xf32, #tpu.memory_space<vmem>>
        %dma_wait3A_363 = tpu.memref_slice %arg4[%mul3A_8] : memref<16384xf32, #tpu.memory_space<hbm>> -> memref<416xf32, #tpu.memory_space<hbm>>
        %dma_wait3A_364 = tpu.memref_slice %arg4[%mul3A_8] : memref<16384xf32, #tpu.memory_space<hbm>> -> memref<416xf32, #tpu.memory_space<hbm>>
        %dma_wait3A_365 = arith.constant 0 : i32
        %dma_wait3A_366 = tpu.memref_slice %arg7[%dma_wait3A_365] : memref<608xf32, #tpu.memory_space<vmem>> -> memref<416xf32, #tpu.memory_space<vmem>>
        tpu.wait_dma2 semaphore(%run_scoped3A : memref<!tpu.dma_semaphore, #tpu.memory_space<semaphore_mem>>) src(%dma_wait3A_366 : memref<416xf32, #tpu.memory_space<vmem>>) dst(%dma_wait3A_364 : memref<416xf32, #tpu.memory_space<hbm>>)
        tpu.yield
      }) : () -> ()
    } else {
    }
    %eq3A_3 = arith.constant 1 : i32
    %eq3A_4 = arith.cmpi eq, %arg0, %eq3A_3 : i32
    %convert_element_type3A_5 = arith.extui %eq3A_4 : i1 to i32
    %cond3A_6 = arith.constant 0 : i32
    %cond3A_7 = arith.cmpi ne, %convert_element_type3A_5, %cond3A_6 : i32
    scf.if %cond3A_7 {
      %mul3A = arith.constant 608 : i32
      %mul3A_8 = arith.muli %arg1, %mul3A : i32
      %add3A = arith.constant 6656 : i32
      %add3A_9 = arith.addi %add3A, %mul3A_8 : i32
      %mul3A_10 = arith.constant 608 : i32
      %mul3A_11 = arith.muli %arg1, %mul3A_10 : i32
      "tpu.region"() ({
        %run_scoped3A = tpu.sem_alloc : memref<!tpu.dma_semaphore, #tpu.memory_space<semaphore_mem>>
        %dma_start3A_512 = arith.constant 0 : i32
        %dma_start3A_513 = tpu.memref_slice %arg6[%dma_start3A_512] : memref<608xi32, #tpu.memory_space<vmem>> -> memref<608xi32, #tpu.memory_space<vmem>>
        %dma_start3A_514 = tpu.memref_slice %arg5[%mul3A_11] : memref<9728xi32, #tpu.memory_space<vmem_shared>> -> memref<608xi32, #tpu.memory_space<vmem_shared>>
        %dma_start3A_515 = arith.constant 0 : i32
        %dma_start3A_516 = tpu.memref_slice %arg6[%dma_start3A_515] : memref<608xi32, #tpu.memory_space<vmem>> -> memref<608xi32, #tpu.memory_space<vmem>>
        %dma_start3A_517 = tpu.memref_slice %arg5[%mul3A_11] : memref<9728xi32, #tpu.memory_space<vmem_shared>> -> memref<608xi32, #tpu.memory_space<vmem_shared>>
        tpu.enqueue_dma source(%dma_start3A_517 : memref<608xi32, #tpu.memory_space<vmem_shared>>) target(%dma_start3A_516 : memref<608xi32, #tpu.memory_space<vmem>>) target_semaphore(%run_scoped3A : memref<!tpu.dma_semaphore, #tpu.memory_space<semaphore_mem>>)
        %dma_wait3A_518 = arith.constant 0 : i32
        %dma_wait3A_519 = tpu.memref_slice %arg6[%dma_wait3A_518] : memref<608xi32, #tpu.memory_space<vmem>> -> memref<608xi32, #tpu.memory_space<vmem>>
        %dma_wait3A_520 = tpu.memref_slice %arg5[%mul3A_11] : memref<9728xi32, #tpu.memory_space<vmem_shared>> -> memref<608xi32, #tpu.memory_space<vmem_shared>>
        %dma_wait3A_521 = arith.constant 0 : i32
        %dma_wait3A_522 = tpu.memref_slice %arg6[%dma_wait3A_521] : memref<608xi32, #tpu.memory_space<vmem>> -> memref<608xi32, #tpu.memory_space<vmem>>
        %dma_wait3A_523 = tpu.memref_slice %arg5[%mul3A_11] : memref<9728xi32, #tpu.memory_space<vmem_shared>> -> memref<608xi32, #tpu.memory_space<vmem_shared>>
        tpu.wait_dma2 semaphore(%run_scoped3A : memref<!tpu.dma_semaphore, #tpu.memory_space<semaphore_mem>>) src(%dma_wait3A_523 : memref<608xi32, #tpu.memory_space<vmem_shared>>) dst(%dma_wait3A_522 : memref<608xi32, #tpu.memory_space<vmem>>)
        tpu.yield
      }) : () -> ()
      %dma_start3A = arith.constant 0 : i32
      %dma_start3A_12 = tpu.memref_slice %arg7[%dma_start3A] : memref<608xf32, #tpu.memory_space<vmem>> -> memref<608xf32, #tpu.memory_space<vmem>>
      %dma_start3A_13 = arith.constant 0 : i32
      %dma_start3A_14 = tpu.memref_slice %arg6[%dma_start3A_13] : memref<608xi32, #tpu.memory_space<vmem>> -> memref<608xi32, #tpu.memory_space<vmem>>
      %dma_start3A_15 = arith.constant 0 : i32
      %dma_start3A_16 = tpu.memref_slice %arg2[%dma_start3A_15] : memref<1000000xf32, #tpu.memory_space<hbm>> -> memref<1000000xf32, #tpu.memory_space<hbm>>
      tpu.enqueue_indirect_dma source(%dma_start3A_16 : memref<1000000xf32, #tpu.memory_space<hbm>>) target(%dma_start3A_12 : memref<608xf32, #tpu.memory_space<vmem>>) offsets(%dma_start3A_14 : memref<608xi32, #tpu.memory_space<vmem>>) semaphore(%arg9 : memref<!tpu.dma_semaphore, #tpu.memory_space<semaphore_mem>>)
      %dma_wait3A = arith.constant 0 : i32
      %dma_wait3A_17 = tpu.memref_slice %arg7[%dma_wait3A] : memref<608xf32, #tpu.memory_space<vmem>> -> memref<608xf32, #tpu.memory_space<vmem>>
      %dma_wait3A_18 = arith.constant 0 : i32
      %dma_wait3A_19 = tpu.memref_slice %arg6[%dma_wait3A_18] : memref<608xi32, #tpu.memory_space<vmem>> -> memref<608xi32, #tpu.memory_space<vmem>>
      %dma_wait3A_20 = arith.constant 0 : i32
      %dma_wait3A_21 = tpu.memref_slice %arg2[%dma_wait3A_20] : memref<1000000xf32, #tpu.memory_space<hbm>> -> memref<1000000xf32, #tpu.memory_space<hbm>>
      tpu.wait_indirect_dma semaphore(%arg9 : memref<!tpu.dma_semaphore, #tpu.memory_space<semaphore_mem>>) src(%dma_wait3A_21 : memref<1000000xf32, #tpu.memory_space<hbm>>) dst(%dma_wait3A_17 : memref<608xf32, #tpu.memory_space<vmem>>)
      %get3A = arith.constant 0 : index
      %get3A_22 = tpu.vector_load %arg7[%get3A] {strides = array<i32>} : memref<608xf32, #tpu.memory_space<vmem>>, vector<16xf32>,
      %get3A_23 = vector.shape_cast %get3A_22 : vector<16xf32> to vector<16xf32>
      %max3A = arith.constant -18.420681 : f32
      %max3A_24 = vector.broadcast %max3A : f32 to vector<16xf32>
      %max3A_25 = arith.maximumf %get3A_23, %max3A_24 : vector<16xf32>
      %min3A = arith.constant 0.000000e+00 : f32
      %min3A_26 = vector.broadcast %min3A : f32 to vector<16xf32>
      %min3A_27 = arith.minimumf %max3A_25, %min3A_26 : vector<16xf32>
      %swap3A = arith.constant 0 : index
      %swap3A_28 = tpu.vector_load %arg7[%swap3A] {strides = array<i32>} : memref<608xf32, #tpu.memory_space<vmem>>, vector<16xf32>,
      %swap3A_29 = vector.shape_cast %swap3A_28 : vector<16xf32> to vector<16xf32>
      %swap3A_30 = vector.shape_cast %min3A_27 : vector<16xf32> to vector<16xf32>
      tpu.vector_store %arg7[%swap3A], %swap3A_30 {strides = array<i32>} : memref<608xf32, #tpu.memory_space<vmem>>, vector<16xf32>,
      %get3A_31 = arith.constant 16 : index
      %get3A_32 = tpu.vector_load %arg7[%get3A_31] {strides = array<i32>} : memref<608xf32, #tpu.memory_space<vmem>>, vector<16xf32>,
      %get3A_33 = vector.shape_cast %get3A_32 : vector<16xf32> to vector<16xf32>
      %max3A_34 = arith.constant -18.420681 : f32
      %max3A_35 = vector.broadcast %max3A_34 : f32 to vector<16xf32>
      %max3A_36 = arith.maximumf %get3A_33, %max3A_35 : vector<16xf32>
      %min3A_37 = arith.constant 0.000000e+00 : f32
      %min3A_38 = vector.broadcast %min3A_37 : f32 to vector<16xf32>
      %min3A_39 = arith.minimumf %max3A_36, %min3A_38 : vector<16xf32>
      %swap3A_40 = arith.constant 16 : index
      %swap3A_41 = tpu.vector_load %arg7[%swap3A_40] {strides = array<i32>} : memref<608xf32, #tpu.memory_space<vmem>>, vector<16xf32>,
      %swap3A_42 = vector.shape_cast %swap3A_41 : vector<16xf32> to vector<16xf32>
      %swap3A_43 = vector.shape_cast %min3A_39 : vector<16xf32> to vector<16xf32>
      tpu.vector_store %arg7[%swap3A_40], %swap3A_43 {strides = array<i32>} : memref<608xf32, #tpu.memory_space<vmem>>, vector<16xf32>,
      %get3A_44 = arith.constant 32 : index
      %get3A_45 = tpu.vector_load %arg7[%get3A_44] {strides = array<i32>} : memref<608xf32, #tpu.memory_space<vmem>>, vector<16xf32>,
      %get3A_46 = vector.shape_cast %get3A_45 : vector<16xf32> to vector<16xf32>
      %max3A_47 = arith.constant -18.420681 : f32
      %max3A_48 = vector.broadcast %max3A_47 : f32 to vector<16xf32>
      %max3A_49 = arith.maximumf %get3A_46, %max3A_48 : vector<16xf32>
      %min3A_50 = arith.constant 0.000000e+00 : f32
      %min3A_51 = vector.broadcast %min3A_50 : f32 to vector<16xf32>
      %min3A_52 = arith.minimumf %max3A_49, %min3A_51 : vector<16xf32>
      %swap3A_53 = arith.constant 32 : index
      %swap3A_54 = tpu.vector_load %arg7[%swap3A_53] {strides = array<i32>} : memref<608xf32, #tpu.memory_space<vmem>>, vector<16xf32>,
      %swap3A_55 = vector.shape_cast %swap3A_54 : vector<16xf32> to vector<16xf32>
      %swap3A_56 = vector.shape_cast %min3A_52 : vector<16xf32> to vector<16xf32>
      tpu.vector_store %arg7[%swap3A_53], %swap3A_56 {strides = array<i32>} : memref<608xf32, #tpu.memory_space<vmem>>, vector<16xf32>,
      %get3A_57 = arith.constant 48 : index
      %get3A_58 = tpu.vector_load %arg7[%get3A_57] {strides = array<i32>} : memref<608xf32, #tpu.memory_space<vmem>>, vector<16xf32>,
      %get3A_59 = vector.shape_cast %get3A_58 : vector<16xf32> to vector<16xf32>
      %max3A_60 = arith.constant -18.420681 : f32
      %max3A_61 = vector.broadcast %max3A_60 : f32 to vector<16xf32>
      %max3A_62 = arith.maximumf %get3A_59, %max3A_61 : vector<16xf32>
      %min3A_63 = arith.constant 0.000000e+00 : f32
      %min3A_64 = vector.broadcast %min3A_63 : f32 to vector<16xf32>
      %min3A_65 = arith.minimumf %max3A_62, %min3A_64 : vector<16xf32>
      %swap3A_66 = arith.constant 48 : index
      %swap3A_67 = tpu.vector_load %arg7[%swap3A_66] {strides = array<i32>} : memref<608xf32, #tpu.memory_space<vmem>>, vector<16xf32>,
      %swap3A_68 = vector.shape_cast %swap3A_67 : vector<16xf32> to vector<16xf32>
      %swap3A_69 = vector.shape_cast %min3A_65 : vector<16xf32> to vector<16xf32>
      tpu.vector_store %arg7[%swap3A_66], %swap3A_69 {strides = array<i32>} : memref<608xf32, #tpu.memory_space<vmem>>, vector<16xf32>,
      %get3A_70 = arith.constant 64 : index
      %get3A_71 = tpu.vector_load %arg7[%get3A_70] {strides = array<i32>} : memref<608xf32, #tpu.memory_space<vmem>>, vector<16xf32>,
      %get3A_72 = vector.shape_cast %get3A_71 : vector<16xf32> to vector<16xf32>
      %max3A_73 = arith.constant -18.420681 : f32
      %max3A_74 = vector.broadcast %max3A_73 : f32 to vector<16xf32>
      %max3A_75 = arith.maximumf %get3A_72, %max3A_74 : vector<16xf32>
      %min3A_76 = arith.constant 0.000000e+00 : f32
      %min3A_77 = vector.broadcast %min3A_76 : f32 to vector<16xf32>
      %min3A_78 = arith.minimumf %max3A_75, %min3A_77 : vector<16xf32>
      %swap3A_79 = arith.constant 64 : index
      %swap3A_80 = tpu.vector_load %arg7[%swap3A_79] {strides = array<i32>} : memref<608xf32, #tpu.memory_space<vmem>>, vector<16xf32>,
      %swap3A_81 = vector.shape_cast %swap3A_80 : vector<16xf32> to vector<16xf32>
      %swap3A_82 = vector.shape_cast %min3A_78 : vector<16xf32> to vector<16xf32>
      tpu.vector_store %arg7[%swap3A_79], %swap3A_82 {strides = array<i32>} : memref<608xf32, #tpu.memory_space<vmem>>, vector<16xf32>,
      %get3A_83 = arith.constant 80 : index
      %get3A_84 = tpu.vector_load %arg7[%get3A_83] {strides = array<i32>} : memref<608xf32, #tpu.memory_space<vmem>>, vector<16xf32>,
      %get3A_85 = vector.shape_cast %get3A_84 : vector<16xf32> to vector<16xf32>
      %max3A_86 = arith.constant -18.420681 : f32
      %max3A_87 = vector.broadcast %max3A_86 : f32 to vector<16xf32>
      %max3A_88 = arith.maximumf %get3A_85, %max3A_87 : vector<16xf32>
      %min3A_89 = arith.constant 0.000000e+00 : f32
      %min3A_90 = vector.broadcast %min3A_89 : f32 to vector<16xf32>
      %min3A_91 = arith.minimumf %max3A_88, %min3A_90 : vector<16xf32>
      %swap3A_92 = arith.constant 80 : index
      %swap3A_93 = tpu.vector_load %arg7[%swap3A_92] {strides = array<i32>} : memref<608xf32, #tpu.memory_space<vmem>>, vector<16xf32>,
      %swap3A_94 = vector.shape_cast %swap3A_93 : vector<16xf32> to vector<16xf32>
      %swap3A_95 = vector.shape_cast %min3A_91 : vector<16xf32> to vector<16xf32>
      tpu.vector_store %arg7[%swap3A_92], %swap3A_95 {strides = array<i32>} : memref<608xf32, #tpu.memory_space<vmem>>, vector<16xf32>,
      %get3A_96 = arith.constant 96 : index
      %get3A_97 = tpu.vector_load %arg7[%get3A_96] {strides = array<i32>} : memref<608xf32, #tpu.memory_space<vmem>>, vector<16xf32>,
      %get3A_98 = vector.shape_cast %get3A_97 : vector<16xf32> to vector<16xf32>
      %max3A_99 = arith.constant -18.420681 : f32
      %max3A_100 = vector.broadcast %max3A_99 : f32 to vector<16xf32>
      %max3A_101 = arith.maximumf %get3A_98, %max3A_100 : vector<16xf32>
      %min3A_102 = arith.constant 0.000000e+00 : f32
      %min3A_103 = vector.broadcast %min3A_102 : f32 to vector<16xf32>
      %min3A_104 = arith.minimumf %max3A_101, %min3A_103 : vector<16xf32>
      %swap3A_105 = arith.constant 96 : index
      %swap3A_106 = tpu.vector_load %arg7[%swap3A_105] {strides = array<i32>} : memref<608xf32, #tpu.memory_space<vmem>>, vector<16xf32>,
      %swap3A_107 = vector.shape_cast %swap3A_106 : vector<16xf32> to vector<16xf32>
      %swap3A_108 = vector.shape_cast %min3A_104 : vector<16xf32> to vector<16xf32>
      tpu.vector_store %arg7[%swap3A_105], %swap3A_108 {strides = array<i32>} : memref<608xf32, #tpu.memory_space<vmem>>, vector<16xf32>,
      %get3A_109 = arith.constant 112 : index
      %get3A_110 = tpu.vector_load %arg7[%get3A_109] {strides = array<i32>} : memref<608xf32, #tpu.memory_space<vmem>>, vector<16xf32>,
      %get3A_111 = vector.shape_cast %get3A_110 : vector<16xf32> to vector<16xf32>
      %max3A_112 = arith.constant -18.420681 : f32
      %max3A_113 = vector.broadcast %max3A_112 : f32 to vector<16xf32>
      %max3A_114 = arith.maximumf %get3A_111, %max3A_113 : vector<16xf32>
      %min3A_115 = arith.constant 0.000000e+00 : f32
      %min3A_116 = vector.broadcast %min3A_115 : f32 to vector<16xf32>
      %min3A_117 = arith.minimumf %max3A_114, %min3A_116 : vector<16xf32>
      %swap3A_118 = arith.constant 112 : index
      %swap3A_119 = tpu.vector_load %arg7[%swap3A_118] {strides = array<i32>} : memref<608xf32, #tpu.memory_space<vmem>>, vector<16xf32>,
      %swap3A_120 = vector.shape_cast %swap3A_119 : vector<16xf32> to vector<16xf32>
      %swap3A_121 = vector.shape_cast %min3A_117 : vector<16xf32> to vector<16xf32>
      tpu.vector_store %arg7[%swap3A_118], %swap3A_121 {strides = array<i32>} : memref<608xf32, #tpu.memory_space<vmem>>, vector<16xf32>,
      %get3A_122 = arith.constant 128 : index
      %get3A_123 = tpu.vector_load %arg7[%get3A_122] {strides = array<i32>} : memref<608xf32, #tpu.memory_space<vmem>>, vector<16xf32>,
      %get3A_124 = vector.shape_cast %get3A_123 : vector<16xf32> to vector<16xf32>
      %max3A_125 = arith.constant -18.420681 : f32
      %max3A_126 = vector.broadcast %max3A_125 : f32 to vector<16xf32>
      %max3A_127 = arith.maximumf %get3A_124, %max3A_126 : vector<16xf32>
      %min3A_128 = arith.constant 0.000000e+00 : f32
      %min3A_129 = vector.broadcast %min3A_128 : f32 to vector<16xf32>
      %min3A_130 = arith.minimumf %max3A_127, %min3A_129 : vector<16xf32>
      %swap3A_131 = arith.constant 128 : index
      %swap3A_132 = tpu.vector_load %arg7[%swap3A_131] {strides = array<i32>} : memref<608xf32, #tpu.memory_space<vmem>>, vector<16xf32>,
      %swap3A_133 = vector.shape_cast %swap3A_132 : vector<16xf32> to vector<16xf32>
      %swap3A_134 = vector.shape_cast %min3A_130 : vector<16xf32> to vector<16xf32>
      tpu.vector_store %arg7[%swap3A_131], %swap3A_134 {strides = array<i32>} : memref<608xf32, #tpu.memory_space<vmem>>, vector<16xf32>,
      %get3A_135 = arith.constant 144 : index
      %get3A_136 = tpu.vector_load %arg7[%get3A_135] {strides = array<i32>} : memref<608xf32, #tpu.memory_space<vmem>>, vector<16xf32>,
      %get3A_137 = vector.shape_cast %get3A_136 : vector<16xf32> to vector<16xf32>
      %max3A_138 = arith.constant -18.420681 : f32
      %max3A_139 = vector.broadcast %max3A_138 : f32 to vector<16xf32>
      %max3A_140 = arith.maximumf %get3A_137, %max3A_139 : vector<16xf32>
      %min3A_141 = arith.constant 0.000000e+00 : f32
      %min3A_142 = vector.broadcast %min3A_141 : f32 to vector<16xf32>
      %min3A_143 = arith.minimumf %max3A_140, %min3A_142 : vector<16xf32>
      %swap3A_144 = arith.constant 144 : index
      %swap3A_145 = tpu.vector_load %arg7[%swap3A_144] {strides = array<i32>} : memref<608xf32, #tpu.memory_space<vmem>>, vector<16xf32>,
      %swap3A_146 = vector.shape_cast %swap3A_145 : vector<16xf32> to vector<16xf32>
      %swap3A_147 = vector.shape_cast %min3A_143 : vector<16xf32> to vector<16xf32>
      tpu.vector_store %arg7[%swap3A_144], %swap3A_147 {strides = array<i32>} : memref<608xf32, #tpu.memory_space<vmem>>, vector<16xf32>,
      %get3A_148 = arith.constant 160 : index
      %get3A_149 = tpu.vector_load %arg7[%get3A_148] {strides = array<i32>} : memref<608xf32, #tpu.memory_space<vmem>>, vector<16xf32>,
      %get3A_150 = vector.shape_cast %get3A_149 : vector<16xf32> to vector<16xf32>
      %max3A_151 = arith.constant -18.420681 : f32
      %max3A_152 = vector.broadcast %max3A_151 : f32 to vector<16xf32>
      %max3A_153 = arith.maximumf %get3A_150, %max3A_152 : vector<16xf32>
      %min3A_154 = arith.constant 0.000000e+00 : f32
      %min3A_155 = vector.broadcast %min3A_154 : f32 to vector<16xf32>
      %min3A_156 = arith.minimumf %max3A_153, %min3A_155 : vector<16xf32>
      %swap3A_157 = arith.constant 160 : index
      %swap3A_158 = tpu.vector_load %arg7[%swap3A_157] {strides = array<i32>} : memref<608xf32, #tpu.memory_space<vmem>>, vector<16xf32>,
      %swap3A_159 = vector.shape_cast %swap3A_158 : vector<16xf32> to vector<16xf32>
      %swap3A_160 = vector.shape_cast %min3A_156 : vector<16xf32> to vector<16xf32>
      tpu.vector_store %arg7[%swap3A_157], %swap3A_160 {strides = array<i32>} : memref<608xf32, #tpu.memory_space<vmem>>, vector<16xf32>,
      %get3A_161 = arith.constant 176 : index
      %get3A_162 = tpu.vector_load %arg7[%get3A_161] {strides = array<i32>} : memref<608xf32, #tpu.memory_space<vmem>>, vector<16xf32>,
      %get3A_163 = vector.shape_cast %get3A_162 : vector<16xf32> to vector<16xf32>
      %max3A_164 = arith.constant -18.420681 : f32
      %max3A_165 = vector.broadcast %max3A_164 : f32 to vector<16xf32>
      %max3A_166 = arith.maximumf %get3A_163, %max3A_165 : vector<16xf32>
      %min3A_167 = arith.constant 0.000000e+00 : f32
      %min3A_168 = vector.broadcast %min3A_167 : f32 to vector<16xf32>
      %min3A_169 = arith.minimumf %max3A_166, %min3A_168 : vector<16xf32>
      %swap3A_170 = arith.constant 176 : index
      %swap3A_171 = tpu.vector_load %arg7[%swap3A_170] {strides = array<i32>} : memref<608xf32, #tpu.memory_space<vmem>>, vector<16xf32>,
      %swap3A_172 = vector.shape_cast %swap3A_171 : vector<16xf32> to vector<16xf32>
      %swap3A_173 = vector.shape_cast %min3A_169 : vector<16xf32> to vector<16xf32>
      tpu.vector_store %arg7[%swap3A_170], %swap3A_173 {strides = array<i32>} : memref<608xf32, #tpu.memory_space<vmem>>, vector<16xf32>,
      %get3A_174 = arith.constant 192 : index
      %get3A_175 = tpu.vector_load %arg7[%get3A_174] {strides = array<i32>} : memref<608xf32, #tpu.memory_space<vmem>>, vector<16xf32>,
      %get3A_176 = vector.shape_cast %get3A_175 : vector<16xf32> to vector<16xf32>
      %max3A_177 = arith.constant -18.420681 : f32
      %max3A_178 = vector.broadcast %max3A_177 : f32 to vector<16xf32>
      %max3A_179 = arith.maximumf %get3A_176, %max3A_178 : vector<16xf32>
      %min3A_180 = arith.constant 0.000000e+00 : f32
      %min3A_181 = vector.broadcast %min3A_180 : f32 to vector<16xf32>
      %min3A_182 = arith.minimumf %max3A_179, %min3A_181 : vector<16xf32>
      %swap3A_183 = arith.constant 192 : index
      %swap3A_184 = tpu.vector_load %arg7[%swap3A_183] {strides = array<i32>} : memref<608xf32, #tpu.memory_space<vmem>>, vector<16xf32>,
      %swap3A_185 = vector.shape_cast %swap3A_184 : vector<16xf32> to vector<16xf32>
      %swap3A_186 = vector.shape_cast %min3A_182 : vector<16xf32> to vector<16xf32>
      tpu.vector_store %arg7[%swap3A_183], %swap3A_186 {strides = array<i32>} : memref<608xf32, #tpu.memory_space<vmem>>, vector<16xf32>,
      %get3A_187 = arith.constant 208 : index
      %get3A_188 = tpu.vector_load %arg7[%get3A_187] {strides = array<i32>} : memref<608xf32, #tpu.memory_space<vmem>>, vector<16xf32>,
      %get3A_189 = vector.shape_cast %get3A_188 : vector<16xf32> to vector<16xf32>
      %max3A_190 = arith.constant -18.420681 : f32
      %max3A_191 = vector.broadcast %max3A_190 : f32 to vector<16xf32>
      %max3A_192 = arith.maximumf %get3A_189, %max3A_191 : vector<16xf32>
      %min3A_193 = arith.constant 0.000000e+00 : f32
      %min3A_194 = vector.broadcast %min3A_193 : f32 to vector<16xf32>
      %min3A_195 = arith.minimumf %max3A_192, %min3A_194 : vector<16xf32>
      %swap3A_196 = arith.constant 208 : index
      %swap3A_197 = tpu.vector_load %arg7[%swap3A_196] {strides = array<i32>} : memref<608xf32, #tpu.memory_space<vmem>>, vector<16xf32>,
      %swap3A_198 = vector.shape_cast %swap3A_197 : vector<16xf32> to vector<16xf32>
      %swap3A_199 = vector.shape_cast %min3A_195 : vector<16xf32> to vector<16xf32>
      tpu.vector_store %arg7[%swap3A_196], %swap3A_199 {strides = array<i32>} : memref<608xf32, #tpu.memory_space<vmem>>, vector<16xf32>,
      %get3A_200 = arith.constant 224 : index
      %get3A_201 = tpu.vector_load %arg7[%get3A_200] {strides = array<i32>} : memref<608xf32, #tpu.memory_space<vmem>>, vector<16xf32>,
      %get3A_202 = vector.shape_cast %get3A_201 : vector<16xf32> to vector<16xf32>
      %max3A_203 = arith.constant -18.420681 : f32
      %max3A_204 = vector.broadcast %max3A_203 : f32 to vector<16xf32>
      %max3A_205 = arith.maximumf %get3A_202, %max3A_204 : vector<16xf32>
      %min3A_206 = arith.constant 0.000000e+00 : f32
      %min3A_207 = vector.broadcast %min3A_206 : f32 to vector<16xf32>
      %min3A_208 = arith.minimumf %max3A_205, %min3A_207 : vector<16xf32>
      %swap3A_209 = arith.constant 224 : index
      %swap3A_210 = tpu.vector_load %arg7[%swap3A_209] {strides = array<i32>} : memref<608xf32, #tpu.memory_space<vmem>>, vector<16xf32>,
      %swap3A_211 = vector.shape_cast %swap3A_210 : vector<16xf32> to vector<16xf32>
      %swap3A_212 = vector.shape_cast %min3A_208 : vector<16xf32> to vector<16xf32>
      tpu.vector_store %arg7[%swap3A_209], %swap3A_212 {strides = array<i32>} : memref<608xf32, #tpu.memory_space<vmem>>, vector<16xf32>,
      %get3A_213 = arith.constant 240 : index
      %get3A_214 = tpu.vector_load %arg7[%get3A_213] {strides = array<i32>} : memref<608xf32, #tpu.memory_space<vmem>>, vector<16xf32>,
      %get3A_215 = vector.shape_cast %get3A_214 : vector<16xf32> to vector<16xf32>
      %max3A_216 = arith.constant -18.420681 : f32
      %max3A_217 = vector.broadcast %max3A_216 : f32 to vector<16xf32>
      %max3A_218 = arith.maximumf %get3A_215, %max3A_217 : vector<16xf32>
      %min3A_219 = arith.constant 0.000000e+00 : f32
      %min3A_220 = vector.broadcast %min3A_219 : f32 to vector<16xf32>
      %min3A_221 = arith.minimumf %max3A_218, %min3A_220 : vector<16xf32>
      %swap3A_222 = arith.constant 240 : index
      %swap3A_223 = tpu.vector_load %arg7[%swap3A_222] {strides = array<i32>} : memref<608xf32, #tpu.memory_space<vmem>>, vector<16xf32>,
      %swap3A_224 = vector.shape_cast %swap3A_223 : vector<16xf32> to vector<16xf32>
      %swap3A_225 = vector.shape_cast %min3A_221 : vector<16xf32> to vector<16xf32>
      tpu.vector_store %arg7[%swap3A_222], %swap3A_225 {strides = array<i32>} : memref<608xf32, #tpu.memory_space<vmem>>, vector<16xf32>,
      %get3A_226 = arith.constant 256 : index
      %get3A_227 = tpu.vector_load %arg7[%get3A_226] {strides = array<i32>} : memref<608xf32, #tpu.memory_space<vmem>>, vector<16xf32>,
      %get3A_228 = vector.shape_cast %get3A_227 : vector<16xf32> to vector<16xf32>
      %max3A_229 = arith.constant -18.420681 : f32
      %max3A_230 = vector.broadcast %max3A_229 : f32 to vector<16xf32>
      %max3A_231 = arith.maximumf %get3A_228, %max3A_230 : vector<16xf32>
      %min3A_232 = arith.constant 0.000000e+00 : f32
      %min3A_233 = vector.broadcast %min3A_232 : f32 to vector<16xf32>
      %min3A_234 = arith.minimumf %max3A_231, %min3A_233 : vector<16xf32>
      %swap3A_235 = arith.constant 256 : index
      %swap3A_236 = tpu.vector_load %arg7[%swap3A_235] {strides = array<i32>} : memref<608xf32, #tpu.memory_space<vmem>>, vector<16xf32>,
      %swap3A_237 = vector.shape_cast %swap3A_236 : vector<16xf32> to vector<16xf32>
      %swap3A_238 = vector.shape_cast %min3A_234 : vector<16xf32> to vector<16xf32>
      tpu.vector_store %arg7[%swap3A_235], %swap3A_238 {strides = array<i32>} : memref<608xf32, #tpu.memory_space<vmem>>, vector<16xf32>,
      %get3A_239 = arith.constant 272 : index
      %get3A_240 = tpu.vector_load %arg7[%get3A_239] {strides = array<i32>} : memref<608xf32, #tpu.memory_space<vmem>>, vector<16xf32>,
      %get3A_241 = vector.shape_cast %get3A_240 : vector<16xf32> to vector<16xf32>
      %max3A_242 = arith.constant -18.420681 : f32
      %max3A_243 = vector.broadcast %max3A_242 : f32 to vector<16xf32>
      %max3A_244 = arith.maximumf %get3A_241, %max3A_243 : vector<16xf32>
      %min3A_245 = arith.constant 0.000000e+00 : f32
      %min3A_246 = vector.broadcast %min3A_245 : f32 to vector<16xf32>
      %min3A_247 = arith.minimumf %max3A_244, %min3A_246 : vector<16xf32>
      %swap3A_248 = arith.constant 272 : index
      %swap3A_249 = tpu.vector_load %arg7[%swap3A_248] {strides = array<i32>} : memref<608xf32, #tpu.memory_space<vmem>>, vector<16xf32>,
      %swap3A_250 = vector.shape_cast %swap3A_249 : vector<16xf32> to vector<16xf32>
      %swap3A_251 = vector.shape_cast %min3A_247 : vector<16xf32> to vector<16xf32>
      tpu.vector_store %arg7[%swap3A_248], %swap3A_251 {strides = array<i32>} : memref<608xf32, #tpu.memory_space<vmem>>, vector<16xf32>,
      %get3A_252 = arith.constant 288 : index
      %get3A_253 = tpu.vector_load %arg7[%get3A_252] {strides = array<i32>} : memref<608xf32, #tpu.memory_space<vmem>>, vector<16xf32>,
      %get3A_254 = vector.shape_cast %get3A_253 : vector<16xf32> to vector<16xf32>
      %max3A_255 = arith.constant -18.420681 : f32
      %max3A_256 = vector.broadcast %max3A_255 : f32 to vector<16xf32>
      %max3A_257 = arith.maximumf %get3A_254, %max3A_256 : vector<16xf32>
      %min3A_258 = arith.constant 0.000000e+00 : f32
      %min3A_259 = vector.broadcast %min3A_258 : f32 to vector<16xf32>
      %min3A_260 = arith.minimumf %max3A_257, %min3A_259 : vector<16xf32>
      %swap3A_261 = arith.constant 288 : index
      %swap3A_262 = tpu.vector_load %arg7[%swap3A_261] {strides = array<i32>} : memref<608xf32, #tpu.memory_space<vmem>>, vector<16xf32>,
      %swap3A_263 = vector.shape_cast %swap3A_262 : vector<16xf32> to vector<16xf32>
      %swap3A_264 = vector.shape_cast %min3A_260 : vector<16xf32> to vector<16xf32>
      tpu.vector_store %arg7[%swap3A_261], %swap3A_264 {strides = array<i32>} : memref<608xf32, #tpu.memory_space<vmem>>, vector<16xf32>,
      %get3A_265 = arith.constant 304 : index
      %get3A_266 = tpu.vector_load %arg7[%get3A_265] {strides = array<i32>} : memref<608xf32, #tpu.memory_space<vmem>>, vector<16xf32>,
      %get3A_267 = vector.shape_cast %get3A_266 : vector<16xf32> to vector<16xf32>
      %max3A_268 = arith.constant -18.420681 : f32
      %max3A_269 = vector.broadcast %max3A_268 : f32 to vector<16xf32>
      %max3A_270 = arith.maximumf %get3A_267, %max3A_269 : vector<16xf32>
      %min3A_271 = arith.constant 0.000000e+00 : f32
      %min3A_272 = vector.broadcast %min3A_271 : f32 to vector<16xf32>
      %min3A_273 = arith.minimumf %max3A_270, %min3A_272 : vector<16xf32>
      %swap3A_274 = arith.constant 304 : index
      %swap3A_275 = tpu.vector_load %arg7[%swap3A_274] {strides = array<i32>} : memref<608xf32, #tpu.memory_space<vmem>>, vector<16xf32>,
      %swap3A_276 = vector.shape_cast %swap3A_275 : vector<16xf32> to vector<16xf32>
      %swap3A_277 = vector.shape_cast %min3A_273 : vector<16xf32> to vector<16xf32>
      tpu.vector_store %arg7[%swap3A_274], %swap3A_277 {strides = array<i32>} : memref<608xf32, #tpu.memory_space<vmem>>, vector<16xf32>,
      %get3A_278 = arith.constant 320 : index
      %get3A_279 = tpu.vector_load %arg7[%get3A_278] {strides = array<i32>} : memref<608xf32, #tpu.memory_space<vmem>>, vector<16xf32>,
      %get3A_280 = vector.shape_cast %get3A_279 : vector<16xf32> to vector<16xf32>
      %max3A_281 = arith.constant -18.420681 : f32
      %max3A_282 = vector.broadcast %max3A_281 : f32 to vector<16xf32>
      %max3A_283 = arith.maximumf %get3A_280, %max3A_282 : vector<16xf32>
      %min3A_284 = arith.constant 0.000000e+00 : f32
      %min3A_285 = vector.broadcast %min3A_284 : f32 to vector<16xf32>
      %min3A_286 = arith.minimumf %max3A_283, %min3A_285 : vector<16xf32>
      %swap3A_287 = arith.constant 320 : index
      %swap3A_288 = tpu.vector_load %arg7[%swap3A_287] {strides = array<i32>} : memref<608xf32, #tpu.memory_space<vmem>>, vector<16xf32>,
      %swap3A_289 = vector.shape_cast %swap3A_288 : vector<16xf32> to vector<16xf32>
      %swap3A_290 = vector.shape_cast %min3A_286 : vector<16xf32> to vector<16xf32>
      tpu.vector_store %arg7[%swap3A_287], %swap3A_290 {strides = array<i32>} : memref<608xf32, #tpu.memory_space<vmem>>, vector<16xf32>,
      %get3A_291 = arith.constant 336 : index
      %get3A_292 = tpu.vector_load %arg7[%get3A_291] {strides = array<i32>} : memref<608xf32, #tpu.memory_space<vmem>>, vector<16xf32>,
      %get3A_293 = vector.shape_cast %get3A_292 : vector<16xf32> to vector<16xf32>
      %max3A_294 = arith.constant -18.420681 : f32
      %max3A_295 = vector.broadcast %max3A_294 : f32 to vector<16xf32>
      %max3A_296 = arith.maximumf %get3A_293, %max3A_295 : vector<16xf32>
      %min3A_297 = arith.constant 0.000000e+00 : f32
      %min3A_298 = vector.broadcast %min3A_297 : f32 to vector<16xf32>
      %min3A_299 = arith.minimumf %max3A_296, %min3A_298 : vector<16xf32>
      %swap3A_300 = arith.constant 336 : index
      %swap3A_301 = tpu.vector_load %arg7[%swap3A_300] {strides = array<i32>} : memref<608xf32, #tpu.memory_space<vmem>>, vector<16xf32>,
      %swap3A_302 = vector.shape_cast %swap3A_301 : vector<16xf32> to vector<16xf32>
      %swap3A_303 = vector.shape_cast %min3A_299 : vector<16xf32> to vector<16xf32>
      tpu.vector_store %arg7[%swap3A_300], %swap3A_303 {strides = array<i32>} : memref<608xf32, #tpu.memory_space<vmem>>, vector<16xf32>,
      %get3A_304 = arith.constant 352 : index
      %get3A_305 = tpu.vector_load %arg7[%get3A_304] {strides = array<i32>} : memref<608xf32, #tpu.memory_space<vmem>>, vector<16xf32>,
      %get3A_306 = vector.shape_cast %get3A_305 : vector<16xf32> to vector<16xf32>
      %max3A_307 = arith.constant -18.420681 : f32
      %max3A_308 = vector.broadcast %max3A_307 : f32 to vector<16xf32>
      %max3A_309 = arith.maximumf %get3A_306, %max3A_308 : vector<16xf32>
      %min3A_310 = arith.constant 0.000000e+00 : f32
      %min3A_311 = vector.broadcast %min3A_310 : f32 to vector<16xf32>
      %min3A_312 = arith.minimumf %max3A_309, %min3A_311 : vector<16xf32>
      %swap3A_313 = arith.constant 352 : index
      %swap3A_314 = tpu.vector_load %arg7[%swap3A_313] {strides = array<i32>} : memref<608xf32, #tpu.memory_space<vmem>>, vector<16xf32>,
      %swap3A_315 = vector.shape_cast %swap3A_314 : vector<16xf32> to vector<16xf32>
      %swap3A_316 = vector.shape_cast %min3A_312 : vector<16xf32> to vector<16xf32>
      tpu.vector_store %arg7[%swap3A_313], %swap3A_316 {strides = array<i32>} : memref<608xf32, #tpu.memory_space<vmem>>, vector<16xf32>,
      %get3A_317 = arith.constant 368 : index
      %get3A_318 = tpu.vector_load %arg7[%get3A_317] {strides = array<i32>} : memref<608xf32, #tpu.memory_space<vmem>>, vector<16xf32>,
      %get3A_319 = vector.shape_cast %get3A_318 : vector<16xf32> to vector<16xf32>
      %max3A_320 = arith.constant -18.420681 : f32
      %max3A_321 = vector.broadcast %max3A_320 : f32 to vector<16xf32>
      %max3A_322 = arith.maximumf %get3A_319, %max3A_321 : vector<16xf32>
      %min3A_323 = arith.constant 0.000000e+00 : f32
      %min3A_324 = vector.broadcast %min3A_323 : f32 to vector<16xf32>
      %min3A_325 = arith.minimumf %max3A_322, %min3A_324 : vector<16xf32>
      %swap3A_326 = arith.constant 368 : index
      %swap3A_327 = tpu.vector_load %arg7[%swap3A_326] {strides = array<i32>} : memref<608xf32, #tpu.memory_space<vmem>>, vector<16xf32>,
      %swap3A_328 = vector.shape_cast %swap3A_327 : vector<16xf32> to vector<16xf32>
      %swap3A_329 = vector.shape_cast %min3A_325 : vector<16xf32> to vector<16xf32>
      tpu.vector_store %arg7[%swap3A_326], %swap3A_329 {strides = array<i32>} : memref<608xf32, #tpu.memory_space<vmem>>, vector<16xf32>,
      %get3A_330 = arith.constant 384 : index
      %get3A_331 = tpu.vector_load %arg7[%get3A_330] {strides = array<i32>} : memref<608xf32, #tpu.memory_space<vmem>>, vector<16xf32>,
      %get3A_332 = vector.shape_cast %get3A_331 : vector<16xf32> to vector<16xf32>
      %max3A_333 = arith.constant -18.420681 : f32
      %max3A_334 = vector.broadcast %max3A_333 : f32 to vector<16xf32>
      %max3A_335 = arith.maximumf %get3A_332, %max3A_334 : vector<16xf32>
      %min3A_336 = arith.constant 0.000000e+00 : f32
      %min3A_337 = vector.broadcast %min3A_336 : f32 to vector<16xf32>
      %min3A_338 = arith.minimumf %max3A_335, %min3A_337 : vector<16xf32>
      %swap3A_339 = arith.constant 384 : index
      %swap3A_340 = tpu.vector_load %arg7[%swap3A_339] {strides = array<i32>} : memref<608xf32, #tpu.memory_space<vmem>>, vector<16xf32>,
      %swap3A_341 = vector.shape_cast %swap3A_340 : vector<16xf32> to vector<16xf32>
      %swap3A_342 = vector.shape_cast %min3A_338 : vector<16xf32> to vector<16xf32>
      tpu.vector_store %arg7[%swap3A_339], %swap3A_342 {strides = array<i32>} : memref<608xf32, #tpu.memory_space<vmem>>, vector<16xf32>,
      %get3A_343 = arith.constant 400 : index
      %get3A_344 = tpu.vector_load %arg7[%get3A_343] {strides = array<i32>} : memref<608xf32, #tpu.memory_space<vmem>>, vector<16xf32>,
      %get3A_345 = vector.shape_cast %get3A_344 : vector<16xf32> to vector<16xf32>
      %max3A_346 = arith.constant -18.420681 : f32
      %max3A_347 = vector.broadcast %max3A_346 : f32 to vector<16xf32>
      %max3A_348 = arith.maximumf %get3A_345, %max3A_347 : vector<16xf32>
      %min3A_349 = arith.constant 0.000000e+00 : f32
      %min3A_350 = vector.broadcast %min3A_349 : f32 to vector<16xf32>
      %min3A_351 = arith.minimumf %max3A_348, %min3A_350 : vector<16xf32>
      %swap3A_352 = arith.constant 400 : index
      %swap3A_353 = tpu.vector_load %arg7[%swap3A_352] {strides = array<i32>} : memref<608xf32, #tpu.memory_space<vmem>>, vector<16xf32>,
      %swap3A_354 = vector.shape_cast %swap3A_353 : vector<16xf32> to vector<16xf32>
      %swap3A_355 = vector.shape_cast %min3A_351 : vector<16xf32> to vector<16xf32>
      tpu.vector_store %arg7[%swap3A_352], %swap3A_355 {strides = array<i32>} : memref<608xf32, #tpu.memory_space<vmem>>, vector<16xf32>,
      %get3A_356 = arith.constant 416 : index
      %get3A_357 = tpu.vector_load %arg7[%get3A_356] {strides = array<i32>} : memref<608xf32, #tpu.memory_space<vmem>>, vector<16xf32>,
      %get3A_358 = vector.shape_cast %get3A_357 : vector<16xf32> to vector<16xf32>
      %max3A_359 = arith.constant -18.420681 : f32
      %max3A_360 = vector.broadcast %max3A_359 : f32 to vector<16xf32>
      %max3A_361 = arith.maximumf %get3A_358, %max3A_360 : vector<16xf32>
      %min3A_362 = arith.constant 0.000000e+00 : f32
      %min3A_363 = vector.broadcast %min3A_362 : f32 to vector<16xf32>
      %min3A_364 = arith.minimumf %max3A_361, %min3A_363 : vector<16xf32>
      %swap3A_365 = arith.constant 416 : index
      %swap3A_366 = tpu.vector_load %arg7[%swap3A_365] {strides = array<i32>} : memref<608xf32, #tpu.memory_space<vmem>>, vector<16xf32>,
      %swap3A_367 = vector.shape_cast %swap3A_366 : vector<16xf32> to vector<16xf32>
      %swap3A_368 = vector.shape_cast %min3A_364 : vector<16xf32> to vector<16xf32>
      tpu.vector_store %arg7[%swap3A_365], %swap3A_368 {strides = array<i32>} : memref<608xf32, #tpu.memory_space<vmem>>, vector<16xf32>,
      %get3A_369 = arith.constant 432 : index
      %get3A_370 = tpu.vector_load %arg7[%get3A_369] {strides = array<i32>} : memref<608xf32, #tpu.memory_space<vmem>>, vector<16xf32>,
      %get3A_371 = vector.shape_cast %get3A_370 : vector<16xf32> to vector<16xf32>
      %max3A_372 = arith.constant -18.420681 : f32
      %max3A_373 = vector.broadcast %max3A_372 : f32 to vector<16xf32>
      %max3A_374 = arith.maximumf %get3A_371, %max3A_373 : vector<16xf32>
      %min3A_375 = arith.constant 0.000000e+00 : f32
      %min3A_376 = vector.broadcast %min3A_375 : f32 to vector<16xf32>
      %min3A_377 = arith.minimumf %max3A_374, %min3A_376 : vector<16xf32>
      %swap3A_378 = arith.constant 432 : index
      %swap3A_379 = tpu.vector_load %arg7[%swap3A_378] {strides = array<i32>} : memref<608xf32, #tpu.memory_space<vmem>>, vector<16xf32>,
      %swap3A_380 = vector.shape_cast %swap3A_379 : vector<16xf32> to vector<16xf32>
      %swap3A_381 = vector.shape_cast %min3A_377 : vector<16xf32> to vector<16xf32>
      tpu.vector_store %arg7[%swap3A_378], %swap3A_381 {strides = array<i32>} : memref<608xf32, #tpu.memory_space<vmem>>, vector<16xf32>,
      %get3A_382 = arith.constant 448 : index
      %get3A_383 = tpu.vector_load %arg7[%get3A_382] {strides = array<i32>} : memref<608xf32, #tpu.memory_space<vmem>>, vector<16xf32>,
      %get3A_384 = vector.shape_cast %get3A_383 : vector<16xf32> to vector<16xf32>
      %max3A_385 = arith.constant -18.420681 : f32
      %max3A_386 = vector.broadcast %max3A_385 : f32 to vector<16xf32>
      %max3A_387 = arith.maximumf %get3A_384, %max3A_386 : vector<16xf32>
      %min3A_388 = arith.constant 0.000000e+00 : f32
      %min3A_389 = vector.broadcast %min3A_388 : f32 to vector<16xf32>
      %min3A_390 = arith.minimumf %max3A_387, %min3A_389 : vector<16xf32>
      %swap3A_391 = arith.constant 448 : index
      %swap3A_392 = tpu.vector_load %arg7[%swap3A_391] {strides = array<i32>} : memref<608xf32, #tpu.memory_space<vmem>>, vector<16xf32>,
      %swap3A_393 = vector.shape_cast %swap3A_392 : vector<16xf32> to vector<16xf32>
      %swap3A_394 = vector.shape_cast %min3A_390 : vector<16xf32> to vector<16xf32>
      tpu.vector_store %arg7[%swap3A_391], %swap3A_394 {strides = array<i32>} : memref<608xf32, #tpu.memory_space<vmem>>, vector<16xf32>,
      %get3A_395 = arith.constant 464 : index
      %get3A_396 = tpu.vector_load %arg7[%get3A_395] {strides = array<i32>} : memref<608xf32, #tpu.memory_space<vmem>>, vector<16xf32>,
      %get3A_397 = vector.shape_cast %get3A_396 : vector<16xf32> to vector<16xf32>
      %max3A_398 = arith.constant -18.420681 : f32
      %max3A_399 = vector.broadcast %max3A_398 : f32 to vector<16xf32>
      %max3A_400 = arith.maximumf %get3A_397, %max3A_399 : vector<16xf32>
      %min3A_401 = arith.constant 0.000000e+00 : f32
      %min3A_402 = vector.broadcast %min3A_401 : f32 to vector<16xf32>
      %min3A_403 = arith.minimumf %max3A_400, %min3A_402 : vector<16xf32>
      %swap3A_404 = arith.constant 464 : index
      %swap3A_405 = tpu.vector_load %arg7[%swap3A_404] {strides = array<i32>} : memref<608xf32, #tpu.memory_space<vmem>>, vector<16xf32>,
      %swap3A_406 = vector.shape_cast %swap3A_405 : vector<16xf32> to vector<16xf32>
      %swap3A_407 = vector.shape_cast %min3A_403 : vector<16xf32> to vector<16xf32>
      tpu.vector_store %arg7[%swap3A_404], %swap3A_407 {strides = array<i32>} : memref<608xf32, #tpu.memory_space<vmem>>, vector<16xf32>,
      %get3A_408 = arith.constant 480 : index
      %get3A_409 = tpu.vector_load %arg7[%get3A_408] {strides = array<i32>} : memref<608xf32, #tpu.memory_space<vmem>>, vector<16xf32>,
      %get3A_410 = vector.shape_cast %get3A_409 : vector<16xf32> to vector<16xf32>
      %max3A_411 = arith.constant -18.420681 : f32
      %max3A_412 = vector.broadcast %max3A_411 : f32 to vector<16xf32>
      %max3A_413 = arith.maximumf %get3A_410, %max3A_412 : vector<16xf32>
      %min3A_414 = arith.constant 0.000000e+00 : f32
      %min3A_415 = vector.broadcast %min3A_414 : f32 to vector<16xf32>
      %min3A_416 = arith.minimumf %max3A_413, %min3A_415 : vector<16xf32>
      %swap3A_417 = arith.constant 480 : index
      %swap3A_418 = tpu.vector_load %arg7[%swap3A_417] {strides = array<i32>} : memref<608xf32, #tpu.memory_space<vmem>>, vector<16xf32>,
      %swap3A_419 = vector.shape_cast %swap3A_418 : vector<16xf32> to vector<16xf32>
      %swap3A_420 = vector.shape_cast %min3A_416 : vector<16xf32> to vector<16xf32>
      tpu.vector_store %arg7[%swap3A_417], %swap3A_420 {strides = array<i32>} : memref<608xf32, #tpu.memory_space<vmem>>, vector<16xf32>,
      %get3A_421 = arith.constant 496 : index
      %get3A_422 = tpu.vector_load %arg7[%get3A_421] {strides = array<i32>} : memref<608xf32, #tpu.memory_space<vmem>>, vector<16xf32>,
      %get3A_423 = vector.shape_cast %get3A_422 : vector<16xf32> to vector<16xf32>
      %max3A_424 = arith.constant -18.420681 : f32
      %max3A_425 = vector.broadcast %max3A_424 : f32 to vector<16xf32>
      %max3A_426 = arith.maximumf %get3A_423, %max3A_425 : vector<16xf32>
      %min3A_427 = arith.constant 0.000000e+00 : f32
      %min3A_428 = vector.broadcast %min3A_427 : f32 to vector<16xf32>
      %min3A_429 = arith.minimumf %max3A_426, %min3A_428 : vector<16xf32>
      %swap3A_430 = arith.constant 496 : index
      %swap3A_431 = tpu.vector_load %arg7[%swap3A_430] {strides = array<i32>} : memref<608xf32, #tpu.memory_space<vmem>>, vector<16xf32>,
      %swap3A_432 = vector.shape_cast %swap3A_431 : vector<16xf32> to vector<16xf32>
      %swap3A_433 = vector.shape_cast %min3A_429 : vector<16xf32> to vector<16xf32>
      tpu.vector_store %arg7[%swap3A_430], %swap3A_433 {strides = array<i32>} : memref<608xf32, #tpu.memory_space<vmem>>, vector<16xf32>,
      %get3A_434 = arith.constant 512 : index
      %get3A_435 = tpu.vector_load %arg7[%get3A_434] {strides = array<i32>} : memref<608xf32, #tpu.memory_space<vmem>>, vector<16xf32>,
      %get3A_436 = vector.shape_cast %get3A_435 : vector<16xf32> to vector<16xf32>
      %max3A_437 = arith.constant -18.420681 : f32
      %max3A_438 = vector.broadcast %max3A_437 : f32 to vector<16xf32>
      %max3A_439 = arith.maximumf %get3A_436, %max3A_438 : vector<16xf32>
      %min3A_440 = arith.constant 0.000000e+00 : f32
      %min3A_441 = vector.broadcast %min3A_440 : f32 to vector<16xf32>
      %min3A_442 = arith.minimumf %max3A_439, %min3A_441 : vector<16xf32>
      %swap3A_443 = arith.constant 512 : index
      %swap3A_444 = tpu.vector_load %arg7[%swap3A_443] {strides = array<i32>} : memref<608xf32, #tpu.memory_space<vmem>>, vector<16xf32>,
      %swap3A_445 = vector.shape_cast %swap3A_444 : vector<16xf32> to vector<16xf32>
      %swap3A_446 = vector.shape_cast %min3A_442 : vector<16xf32> to vector<16xf32>
      tpu.vector_store %arg7[%swap3A_443], %swap3A_446 {strides = array<i32>} : memref<608xf32, #tpu.memory_space<vmem>>, vector<16xf32>,
      %get3A_447 = arith.constant 528 : index
      %get3A_448 = tpu.vector_load %arg7[%get3A_447] {strides = array<i32>} : memref<608xf32, #tpu.memory_space<vmem>>, vector<16xf32>,
      %get3A_449 = vector.shape_cast %get3A_448 : vector<16xf32> to vector<16xf32>
      %max3A_450 = arith.constant -18.420681 : f32
      %max3A_451 = vector.broadcast %max3A_450 : f32 to vector<16xf32>
      %max3A_452 = arith.maximumf %get3A_449, %max3A_451 : vector<16xf32>
      %min3A_453 = arith.constant 0.000000e+00 : f32
      %min3A_454 = vector.broadcast %min3A_453 : f32 to vector<16xf32>
      %min3A_455 = arith.minimumf %max3A_452, %min3A_454 : vector<16xf32>
      %swap3A_456 = arith.constant 528 : index
      %swap3A_457 = tpu.vector_load %arg7[%swap3A_456] {strides = array<i32>} : memref<608xf32, #tpu.memory_space<vmem>>, vector<16xf32>,
      %swap3A_458 = vector.shape_cast %swap3A_457 : vector<16xf32> to vector<16xf32>
      %swap3A_459 = vector.shape_cast %min3A_455 : vector<16xf32> to vector<16xf32>
      tpu.vector_store %arg7[%swap3A_456], %swap3A_459 {strides = array<i32>} : memref<608xf32, #tpu.memory_space<vmem>>, vector<16xf32>,
      %get3A_460 = arith.constant 544 : index
      %get3A_461 = tpu.vector_load %arg7[%get3A_460] {strides = array<i32>} : memref<608xf32, #tpu.memory_space<vmem>>, vector<16xf32>,
      %get3A_462 = vector.shape_cast %get3A_461 : vector<16xf32> to vector<16xf32>
      %max3A_463 = arith.constant -18.420681 : f32
      %max3A_464 = vector.broadcast %max3A_463 : f32 to vector<16xf32>
      %max3A_465 = arith.maximumf %get3A_462, %max3A_464 : vector<16xf32>
      %min3A_466 = arith.constant 0.000000e+00 : f32
      %min3A_467 = vector.broadcast %min3A_466 : f32 to vector<16xf32>
      %min3A_468 = arith.minimumf %max3A_465, %min3A_467 : vector<16xf32>
      %swap3A_469 = arith.constant 544 : index
      %swap3A_470 = tpu.vector_load %arg7[%swap3A_469] {strides = array<i32>} : memref<608xf32, #tpu.memory_space<vmem>>, vector<16xf32>,
      %swap3A_471 = vector.shape_cast %swap3A_470 : vector<16xf32> to vector<16xf32>
      %swap3A_472 = vector.shape_cast %min3A_468 : vector<16xf32> to vector<16xf32>
      tpu.vector_store %arg7[%swap3A_469], %swap3A_472 {strides = array<i32>} : memref<608xf32, #tpu.memory_space<vmem>>, vector<16xf32>,
      %get3A_473 = arith.constant 560 : index
      %get3A_474 = tpu.vector_load %arg7[%get3A_473] {strides = array<i32>} : memref<608xf32, #tpu.memory_space<vmem>>, vector<16xf32>,
      %get3A_475 = vector.shape_cast %get3A_474 : vector<16xf32> to vector<16xf32>
      %max3A_476 = arith.constant -18.420681 : f32
      %max3A_477 = vector.broadcast %max3A_476 : f32 to vector<16xf32>
      %max3A_478 = arith.maximumf %get3A_475, %max3A_477 : vector<16xf32>
      %min3A_479 = arith.constant 0.000000e+00 : f32
      %min3A_480 = vector.broadcast %min3A_479 : f32 to vector<16xf32>
      %min3A_481 = arith.minimumf %max3A_478, %min3A_480 : vector<16xf32>
      %swap3A_482 = arith.constant 560 : index
      %swap3A_483 = tpu.vector_load %arg7[%swap3A_482] {strides = array<i32>} : memref<608xf32, #tpu.memory_space<vmem>>, vector<16xf32>,
      %swap3A_484 = vector.shape_cast %swap3A_483 : vector<16xf32> to vector<16xf32>
      %swap3A_485 = vector.shape_cast %min3A_481 : vector<16xf32> to vector<16xf32>
      tpu.vector_store %arg7[%swap3A_482], %swap3A_485 {strides = array<i32>} : memref<608xf32, #tpu.memory_space<vmem>>, vector<16xf32>,
      %get3A_486 = arith.constant 576 : index
      %get3A_487 = tpu.vector_load %arg7[%get3A_486] {strides = array<i32>} : memref<608xf32, #tpu.memory_space<vmem>>, vector<16xf32>,
      %get3A_488 = vector.shape_cast %get3A_487 : vector<16xf32> to vector<16xf32>
      %max3A_489 = arith.constant -18.420681 : f32
      %max3A_490 = vector.broadcast %max3A_489 : f32 to vector<16xf32>
      %max3A_491 = arith.maximumf %get3A_488, %max3A_490 : vector<16xf32>
      %min3A_492 = arith.constant 0.000000e+00 : f32
      %min3A_493 = vector.broadcast %min3A_492 : f32 to vector<16xf32>
      %min3A_494 = arith.minimumf %max3A_491, %min3A_493 : vector<16xf32>
      %swap3A_495 = arith.constant 576 : index
      %swap3A_496 = tpu.vector_load %arg7[%swap3A_495] {strides = array<i32>} : memref<608xf32, #tpu.memory_space<vmem>>, vector<16xf32>,
      %swap3A_497 = vector.shape_cast %swap3A_496 : vector<16xf32> to vector<16xf32>
      %swap3A_498 = vector.shape_cast %min3A_494 : vector<16xf32> to vector<16xf32>
      tpu.vector_store %arg7[%swap3A_495], %swap3A_498 {strides = array<i32>} : memref<608xf32, #tpu.memory_space<vmem>>, vector<16xf32>,
      %get3A_499 = arith.constant 592 : index
      %get3A_500 = tpu.vector_load %arg7[%get3A_499] {strides = array<i32>} : memref<608xf32, #tpu.memory_space<vmem>>, vector<16xf32>,
      %get3A_501 = vector.shape_cast %get3A_500 : vector<16xf32> to vector<16xf32>
      %max3A_502 = arith.constant -18.420681 : f32
      %max3A_503 = vector.broadcast %max3A_502 : f32 to vector<16xf32>
      %max3A_504 = arith.maximumf %get3A_501, %max3A_503 : vector<16xf32>
      %min3A_505 = arith.constant 0.000000e+00 : f32
      %min3A_506 = vector.broadcast %min3A_505 : f32 to vector<16xf32>
      %min3A_507 = arith.minimumf %max3A_504, %min3A_506 : vector<16xf32>
      %swap3A_508 = arith.constant 592 : index
      %swap3A_509 = tpu.vector_load %arg7[%swap3A_508] {strides = array<i32>} : memref<608xf32, #tpu.memory_space<vmem>>, vector<16xf32>,
      %swap3A_510 = vector.shape_cast %swap3A_509 : vector<16xf32> to vector<16xf32>
      %swap3A_511 = vector.shape_cast %min3A_507 : vector<16xf32> to vector<16xf32>
      tpu.vector_store %arg7[%swap3A_508], %swap3A_511 {strides = array<i32>} : memref<608xf32, #tpu.memory_space<vmem>>, vector<16xf32>,
      "tpu.region"() ({
        %run_scoped3A = tpu.sem_alloc : memref<!tpu.dma_semaphore, #tpu.memory_space<semaphore_mem>>
        %dma_start3A_512 = arith.constant 0 : i32
        %dma_start3A_513 = tpu.memref_slice %arg7[%dma_start3A_512] : memref<608xf32, #tpu.memory_space<vmem>> -> memref<608xf32, #tpu.memory_space<vmem>>
        %dma_start3A_514 = tpu.memref_slice %arg4[%add3A_9] : memref<16384xf32, #tpu.memory_space<hbm>> -> memref<608xf32, #tpu.memory_space<hbm>>
        %dma_start3A_515 = tpu.memref_slice %arg4[%add3A_9] : memref<16384xf32, #tpu.memory_space<hbm>> -> memref<608xf32, #tpu.memory_space<hbm>>
        %dma_start3A_516 = arith.constant 0 : i32
        %dma_start3A_517 = tpu.memref_slice %arg7[%dma_start3A_516] : memref<608xf32, #tpu.memory_space<vmem>> -> memref<608xf32, #tpu.memory_space<vmem>>
        tpu.enqueue_dma source(%dma_start3A_517 : memref<608xf32, #tpu.memory_space<vmem>>) target(%dma_start3A_515 : memref<608xf32, #tpu.memory_space<hbm>>) target_semaphore(%run_scoped3A : memref<!tpu.dma_semaphore, #tpu.memory_space<semaphore_mem>>)
        %dma_wait3A_518 = arith.constant 0 : i32
        %dma_wait3A_519 = tpu.memref_slice %arg7[%dma_wait3A_518] : memref<608xf32, #tpu.memory_space<vmem>> -> memref<608xf32, #tpu.memory_space<vmem>>
        %dma_wait3A_520 = tpu.memref_slice %arg4[%add3A_9] : memref<16384xf32, #tpu.memory_space<hbm>> -> memref<608xf32, #tpu.memory_space<hbm>>
        %dma_wait3A_521 = tpu.memref_slice %arg4[%add3A_9] : memref<16384xf32, #tpu.memory_space<hbm>> -> memref<608xf32, #tpu.memory_space<hbm>>
        %dma_wait3A_522 = arith.constant 0 : i32
        %dma_wait3A_523 = tpu.memref_slice %arg7[%dma_wait3A_522] : memref<608xf32, #tpu.memory_space<vmem>> -> memref<608xf32, #tpu.memory_space<vmem>>
        tpu.wait_dma2 semaphore(%run_scoped3A : memref<!tpu.dma_semaphore, #tpu.memory_space<semaphore_mem>>) src(%dma_wait3A_523 : memref<608xf32, #tpu.memory_space<vmem>>) dst(%dma_wait3A_521 : memref<608xf32, #tpu.memory_space<hbm>>)
        tpu.yield
      }) : () -> ()
    } else {
    }
    return
  }
}

</mosaic_0001>

<sc_bundles>
// kernel: kernel.3.cloned.1.call-start
scs
__scs_entry_jumppad:
0x0: {  	(pc) =	sbr.rel $0x88, $3  }
0x1: {  	(tag) =	ssettag $0x0;
	lr =	simm.s32 $0x1  }
0x2: {  	[smem:$0x3F9F] =	sst lr;
	_ =	strace $0xD0000000  }
0x3: {  	_ = 	snop  }
0x4: {  	_ = 	snop  }
0x5: {  	_ = 	snop  }
0x6: {  	_ = 	snop  }
0x7: {  	_ = 	snop  }
__scs_overlays_trampoline_lowered:
0x8: {  	[smem:$0x3FAE] =	sst s0  }
0x9: {  	[smem:$0x3FAF] =	sst s1  }
0xa: {  	[smem:$0x3FB0] =	sst s2  }
0xb: {  	[smem:$0x3FB1] =	sst s3  }
0xc: {  	[smem:$0x3FB2] =	sst s4  }
0xd: {  	[smem:$0x3FB3] =	sst s5  }
0xe: {  	[smem:$0x3FB4] =	sst s6  }
0xf: {  	[smem:$0x3FB5] =	sst s7  }
0x10: {  	[smem:$0x3FB6] =	sst s8  }
0x11: {  	[smem:$0x3FB7] =	sst s9;
	s0 =	simm.s32 @!p0 $0x0  }
0x12: {  	s1 =	sld [smem:$0x3F9D];
	s0 =	simm.s32 @p0 $0x1  }
0x13: {  	[smem:$0x3FB8] =	sst s0;
	s0 =	simm.s32 @!p1 $0x0  }
0x14: {  	s2 =	sld [smem:$0x3F9C];
	s0 =	simm.s32 @p1 $0x1  }
0x15: {  	[smem:$0x3FB9] =	sst s0;
	s0 =	simm.s32 @!p2 $0x0  }
0x16: {  	s3 =	sld [smem:$0x3FDB];
	s0 =	simm.s32 @p2 $0x1  }
0x17: {  	s4 =	simm.s32 $0x1BF5;
	[smem:$0x3FBB] =	sst s0  }
0x18: {  	s0 =	sld [smem:$0x3F9E];
	_ =	swait.ge [sflag:s4], $0x0  }
0x19: {  	s7 =	sld [smem:$0x3F9F]  }
0x1a: {  	s8 =	sadd.s32 $0xFFFFE003, lr  }
0x1b: {  	s9 =	sadd.s32 $0xFFFFFEF7, lr;
	s5 =	simm.s32 $0xFFFFFFFF;
	p2 =	slt.u32 s8, $0xFFFFF086  }
0x1c: {  	p1 =	slt.u32 s9, $0xF7A;
	s5 =	simm.s32 @!p2 $0x0  }
0x1d: {  	s5 =	simm.s32 @p1 $0x1;
	p0 =	seq.s32 s7, s2  }
0x1e: {  	s7 =	smul.u32 @!p0 $0xF7A, s2;
	p2 =	seq.s32 @!p0 s5, $0x0  }
0x1f: {  	s9 =	smul.u32 $0xF7A, s1;
	s8 =	simm.s32 @!p0 $0x1BF5;
	p2 =	por !p2, p0  }
0x20: {  	[sflag:s8] =	ssyncset.s32 @!p0 $0xFFFFF086;
	s6 =	sadd.s32 @!p0 s3, s7;
	s7 =	simm.s32 @!p0 $0x108  }
0x21: {  	s3 =	sadd.s32 s3, s9;
	s6 =	sadd.s32 @!p0 $0x88, s6;
	s7 =	simm.s32 @p2 $0x1082  }
0x22: {  	[simem:s7], [sflag:s8] =	dma.local @!p0 [hbm:s6], $0xF7A  }
0x23: {  	s9 =	sor.u32 $0xD0000000, s2;
	s6 =	simm.s32 $0x108;
	_ =	swait.ge @!p0 [sflag:s8], $0x0  }
0x24: {  	s3 =	sadd.s32 $0x88, s3;
	s6 =	simm.s32 @!p1 $0x1082;
	[sflag:s4] =	ssyncset.s32 $0xFFFFF086  }
0x25: {  	[simem:s6], [sflag:s4] =	dma.local [hbm:s3], $0xF7A  }
0x26: {  	[smem:$0x3F9F] =	sst s1;
	(tag) =	ssettag s2;
	_ =	strace s9  }
0x27: {  	s1 =	sld [smem:$0x3FAF]  }
0x28: {  	s2 =	sld [smem:$0x3FB0]  }
0x29: {  	s4 =	sld [smem:$0x3FB2]  }
0x2a: {  	p0 =	seq.s32 s5, $0x0;
	s5 =	sld [smem:$0x3FB3]  }
0x2b: {  	s6 =	sld [smem:$0x3FB4]  }
0x2c: {  	s7 =	sld [smem:$0x3FB5]  }
0x2d: {  	s3 =	simm.s32 $0x108;
	s8 =	sld [smem:$0x3FB6]  }
0x2e: {  	s3 =	simm.s32 @!p0 $0x1082;
	s9 =	sld [smem:$0x3FB7]  }
0x2f: {  	lr =	sadd.s32 s0, s3;
	s0 =	sld [smem:$0x3FAE]  }
0x30: {  	s3 =	sld [smem:$0x3FB1]  }
0x31: {  	[smem:$0x3FBA] =	sst s10  }
0x32: {  	s10 =	sld [smem:$0x3FB8];
	_ =	sdelay $0x3  }
0x33: {  	p0 =	seq.s32 s10, $0x1;
	s10 =	sld [smem:$0x3FBA];
	_ =	sdelay $0x3  }
0x34: {  	[smem:$0x3FBA] =	sst s10  }
0x35: {  	s10 =	sld [smem:$0x3FB9];
	_ =	sdelay $0x3  }
0x36: {  	p1 =	seq.s32 s10, $0x1;
	s10 =	sld [smem:$0x3FBA];
	_ =	sdelay $0x3  }
0x37: {  	[smem:$0x3FBA] =	sst s10  }
0x38: {  	s10 =	sld [smem:$0x3FBB]  }
0x39: {  	_ = 	snop;
	(pc) =	sbr.ind lr, $3  }
0x3a: {  	_ = 	snop  }
0x3b: {  	_ = 	snop  }
0x3c: {  	p2 =	seq.s32 s10, $0x1;
	s10 =	sld [smem:$0x3FBA]  }
0x3d: {  	_ =	shalt  }
0x3e: {  	_ =	shalt  }
0x3f: {  	_ =	shalt  }
0x40: {  	_ =	shalt  }
0x41: {  	_ =	shalt  }
0x42: {  	_ =	shalt  }
0x43: {  	_ =	shalt  }
0x44: {  	_ =	shalt  }
0x45: {  	_ =	shalt  }
0x46: {  	_ =	shalt  }
0x47: {  	_ =	shalt  }
0x48: {  	_ =	shalt  }
0x49: {  	_ =	shalt  }
0x4a: {  	_ =	shalt  }
0x4b: {  	_ =	shalt  }
0x4c: {  	_ =	shalt  }
0x4d: {  	_ =	shalt  }
0x4e: {  	_ =	shalt  }
0x4f: {  	_ =	shalt  }
0x50: {  	_ =	shalt  }
0x51: {  	_ =	shalt  }
0x52: {  	_ =	shalt  }
0x53: {  	_ =	shalt  }
0x54: {  	_ =	shalt  }
0x55: {  	_ =	shalt  }
0x56: {  	_ =	shalt  }
0x57: {  	_ =	shalt  }
0x58: {  	_ =	shalt  }
0x59: {  	_ =	shalt  }
0x5a: {  	_ =	shalt  }
0x5b: {  	_ =	shalt  }
0x5c: {  	_ =	shalt  }
0x5d: {  	_ =	shalt  }
0x5e: {  	_ =	shalt  }
0x5f: {  	_ =	shalt  }
0x60: {  	_ =	shalt  }
0x61: {  	_ =	shalt  }
0x62: {  	_ =	shalt  }
0x63: {  	_ =	shalt  }
0x64: {  	_ =	shalt  }
0x65: {  	_ =	shalt  }
0x66: {  	_ =	shalt  }
0x67: {  	_ =	shalt  }
0x68: {  	_ =	shalt  }
0x69: {  	_ =	shalt  }
0x6a: {  	_ =	shalt  }
0x6b: {  	_ =	shalt  }
0x6c: {  	_ =	shalt  }
0x6d: {  	_ =	shalt  }
0x6e: {  	_ =	shalt  }
0x6f: {  	_ =	shalt  }
0x70: {  	_ =	shalt  }
0x71: {  	_ =	shalt  }
0x72: {  	_ =	shalt  }
0x73: {  	_ =	shalt  }
0x74: {  	_ =	shalt  }
0x75: {  	_ =	shalt  }
0x76: {  	_ =	shalt  }
0x77: {  	_ =	shalt  }
0x78: {  	_ =	shalt  }
0x79: {  	_ =	shalt  }
0x7a: {  	_ =	shalt  }
0x7b: {  	_ =	shalt  }
0x7c: {  	_ =	shalt  }
0x7d: {  	_ =	shalt  }
0x7e: {  	_ =	shalt  }
0x7f: {  	_ =	shalt  }
0x80: {  	_ =	shalt  }
0x81: {  	_ =	shalt  }
0x82: {  	_ =	shalt  }
0x83: {  	_ =	shalt  }
0x84: {  	_ =	shalt  }
0x85: {  	_ =	shalt  }
0x86: {  	_ =	shalt  }
0x87: {  	_ =	shalt  }
.Lfunc_end0:
.L_simem_size_0:
called_computation_lowered:
.L_overlay_start_0:
0x88: {  	s1 =	sld [smem:$0x3FD9]  }
0x89: {  	s3 =	sld [smem:$0x3FFE];
	_ =	sdelay $0x1  }
0x8a: {  	s2 =	srdreg.scid  }
0x8b: {  	s0 =	sand.u32 $0x1, s2  }
0x8c: {  	s28 =	sshll.u32 s0, $0xA;
	s1 =	sadd.s32 s3, s1  }
0x8d: {  	s1 =	sadd.s32 s1, s28  }
0x8e: {  	[smem:$0x3FC6] =	sst s1  }
0x8f: {  	_ = 	snop  }
0x90: {  	s29 =	sld [smem:$0x3FC9]  }
0x91: {  	s1 =	simm.s32 $0x0;
	s4 =	sld [smem:$0x3FC8]  }
0x92: {  	[smem:$0xF] =	sst s1  }
0x93: {  	s5 =	sld [smem:$0x3FD0];
	(tm) =	ssettm $0x1  }
0x94: {  	s6 =	sld [smem:$0x3FFB];
	_ =	sdelay $0x3  }
0x95: {  	_ =	strace s6  }
0x96: {  	s6 =	sld [smem:$0x3FFC];
	_ =	sdelay $0x3  }
0x97: {  	_ =	strace s6  }
0x98: {  	s6 =	sld [smem:$0x3FFD];
	_ =	sdelay $0x3  }
0x99: {  	_ =	strace s6  }
0x9a: {  	_ =	strace $0x8FFFFFFF  }
0x9b: {  	s30 =	sld [smem:$0x3FDB];
	_ =	sdelay $0x2  }
0x9c: {  	s7 =	simm.s32 $_scs_section_size;
	s8 =	simm.s32 $_tile_overlayer_lowered  }
0x9d: {  	s31 =	simm.s32 $_size__tile_overlayer_lowered;
	s8 =	sshll.u32 s8, $0x1;
	s6 =	sadd.s32 s7, s30  }
0x9e: {  	s9 =	simm.s32 $0x1BFF;
	s7 =	sshll.u32 s31, $0x1;
	s8 =	sadd.s32 s8, s6  }
0x9f: {  	[timem:s1], [sflag:s9] =	dma.local [hbm:s8], s7  }
0xa0: {  	_ =	swait.ge [sflag:s9], s7  }
0xa1: {  	s7 =	ssub.s32 $0x0, s7;
	[sflag:s9] =	ssyncset.done $0x0  }
0xa2: {  	[sflag:s9] =	ssyncadd.s32 s7;
	_ =	sdelay $0x1  }
0xa3: {  	s8 =	simm.s32 $0x1B8B  }
0xa4: {  	_ =	swait.ge [sflag:s8], $0x1  }
0xa5: {  	[sflag:s8] =	ssyncset.done $0x0  }
0xa6: {  	s9 =	simm.s32 $0x1B8E;
	[sflag:s8] =	ssyncadd.s32 $0xFFFFFFFF  }
0xa7: {  	s10 =	simm.s32 $execute0_lowered;
	[smem:$0x3FD2] =	sst s9  }
0xa8: {  	s7 =	sshll.u32 s10, $0x1;
	_ =	strace $0x80000046;
	[dreg:$0x1] =	wrdreg $0xFFFFFFFF  }
0xa9: {  	s11 =	simm.s32 $_size_execute0_lowered;
	s6 =	sadd.s32 s6, s7;
	[dreg:$0x0] =	wrdreg $0x0  }
0xaa: {  	s7 =	sshll.u32 s11, $0x1;
	[dreg:$0x2] =	wrdreg s6  }
0xab: {  	[dreg:$0x3] =	wrdreg s7  }
0xac: {  	[dreg:$0x4] =	wrdreg $0xC0  }
0xad: {  	_ =	task [dreg:s1], $0x5FFFF  }
0xae: {  	[dreg:$0x1] =	wrdreg $0xFFFFFFFF  }
0xaf: {  	[dreg:$0x0] =	wrdreg $0x60  }
0xb0: {  	[dreg:$0x2] =	wrdreg s29  }
0xb1: {  	[dreg:$0x3] =	wrdreg s5  }
0xb2: {  	p0 =	seq.s32 s0, $0x1;
	[dreg:$0x4] =	wrdreg $0x0  }
0xb3: {  	s3 =	sadd.s32 @p0 $0x340, s4;
	[dreg:$0x5] =	wrdreg $0x9  }
0xb4: {  	s6 =	simm.s32 @p0 $0x0;
	s5 =	simm.s32 @p0 $0xA;
	_ =	task.clear_ibuf [dreg:s1], $0x6FFFF  }
0xb5: {  	[spmem:s6], [sflag:s5] =	dma.local @p0 [hbm:s3], $0x4C0  }
0xb6: {  	_ =	swait.ge @p0 [sflag:s5], $0x4C0  }
0xb7: {  	[sflag:s5] =	ssyncset.done @p0 $0x0  }
0xb8: {  	[sflag:s5] =	ssyncadd.s32 @p0 $0xFFFFFB40  }
0xb9: {  	s3 =	simm.s32 @!p0 $0xA;
	s5 =	simm.s32 @!p0 $0x0  }
0xba: {  	[spmem:s5], [sflag:s3] =	dma.local @!p0 [hbm:s4], $0x340  }
0xbb: {  	_ =	swait.ge @!p0 [sflag:s3], $0x340  }
0xbc: {  	[sflag:s3] =	ssyncset.done @!p0 $0x0  }
0xbd: {  	[sflag:s3] =	ssyncadd.s32 @!p0 $0xFFFFFCC0  }
0xbe: {  	s3 =	sld [smem:$0x0];
	_ =	sdelay $0x2  }
0xbf: {  	s12 =	sshrl.u32 s2, $0x2  }
0xc0: {  	s13 =	sand.u32 $0x3, s2;
	s3 =	sadd.s32 s12, s3  }
0xc1: {  	s5 =	sshll.u32 s13, $0xE;
	s3 =	sshll.u32 s3, $0x11  }
0xc2: {  	s3 =	sor.u32 s3, s5  }
0xc3: {  	s5 =	sor.u32 $0x11C01, s3  }
0xc4: {  	s14 =	sor.u32 $0x11C41, s3;
	[sflag:s5] =	ssyncadd.remote.s32 $0x1  }
0xc5: {  	s15 =	sor.u32 $0x11C81, s3;
	[sflag:s14] =	ssyncadd.remote.s32 $0x1  }
0xc6: {  	s16 =	sor.u32 $0x11CC1, s3;
	[sflag:s15] =	ssyncadd.remote.s32 $0x1  }
0xc7: {  	s17 =	sor.u32 $0x11D01, s3;
	[sflag:s16] =	ssyncadd.remote.s32 $0x1  }
0xc8: {  	s18 =	sor.u32 $0x11D41, s3;
	[sflag:s17] =	ssyncadd.remote.s32 $0x1  }
0xc9: {  	s19 =	sor.u32 $0x11D81, s3;
	[sflag:s18] =	ssyncadd.remote.s32 $0x1  }
0xca: {  	s20 =	sor.u32 $0x11DC1, s3;
	[sflag:s19] =	ssyncadd.remote.s32 $0x1  }
0xcb: {  	s21 =	sor.u32 $0x11E01, s3;
	[sflag:s20] =	ssyncadd.remote.s32 $0x1  }
0xcc: {  	s22 =	sor.u32 $0x11E41, s3;
	[sflag:s21] =	ssyncadd.remote.s32 $0x1  }
0xcd: {  	s23 =	sor.u32 $0x11E81, s3;
	[sflag:s22] =	ssyncadd.remote.s32 $0x1  }
0xce: {  	s24 =	sor.u32 $0x11EC1, s3;
	[sflag:s23] =	ssyncadd.remote.s32 $0x1  }
0xcf: {  	s25 =	sor.u32 $0x11F01, s3;
	[sflag:s24] =	ssyncadd.remote.s32 $0x1  }
0xd0: {  	s26 =	sor.u32 $0x11F41, s3;
	[sflag:s25] =	ssyncadd.remote.s32 $0x1  }
0xd1: {  	s28 =	sor.u32 $0x11F81, s3;
	[sflag:s26] =	ssyncadd.remote.s32 $0x1  }
0xd2: {  	s3 =	sor.u32 $0x11FC1, s3;
	[sflag:s28] =	ssyncadd.remote.s32 $0x1  }
0xd3: {  	[sflag:s3] =	ssyncadd.remote.s32 $0x1  }
0xd4: {  	_ =	strace $0x90000046  }
0xd5: {  	s29 =	simm.s32 $0x9;
	_ =	strace $0x80000048  }
0xd6: {  	_ =	swait.ge [sflag:s29], $0x1  }
0xd7: {  	[sflag:s29] =	ssyncadd.s32 $0xFFFFFFFF  }
0xd8: {  	_ =	strace $0x90000048  }
0xd9: {  	_ =	sfence  }
0xda: {  	s30 =	sld [smem:$0x0];
	_ =	sdelay $0x2  }
0xdb: {  	s2 =	sshll.u32 s2, $0xD  }
0xdc: {  	s2 =	sand.u32 $0x4000, s2;
	s3 =	sadd.s32 s12, s30  }
0xdd: {  	s0 =	sor.u32 s2, s0;
	s31 =	sshll.u32 s3, $0x11  }
0xde: {  	s0 =	sor.u32 s31, s0  }
0xdf: {  	s0 =	sadd.s32 $0x8F2B, s0  }
0xe0: {  	[sflag:s0] =	ssyncadd.remote.s32 $0x1  }
0xe1: {  	_ =	sfence.sel $0xFFFF  }
0xe2: {  	[dreg:$0x0] =	wrdreg $0xFFFFFFFF;
	(pc) =	sbr.abs _section_cstart, $3  }
0xe3: {  	[dreg:$0x1] =	wrdreg $0xFFFFFFFF  }
0xe4: {  	_ =	task.clear_ibuf [dreg:s1], $0x2FFFF;
	_ =	strace $0x9FFFFFFF  }
0xe5: {  	(tm) =	ssettm $0x7FFFFFFF  }
tec
execute0_lowered:
.L_overlay_start_1:
0x0: {  	(tag) =	ssettag $0x1  }
0x1: {  	s1 =	rddreg [dreg:$0x0]  }
0x2: {  	s6 =	rddreg [dreg:$0x1]  }
0x3: {  	s7 =	rddreg [dreg:$0x2];
	s3 =	srdreg.scid  }
0x4: {  	s0 =	rddreg [dreg:$0x3];
	s2 =	stileid.u32;
	s12 =	simm.s32 $0x4E0  }
0x5: {  	s13 =	simm.s32 $0x2;
	s14 =	simm.s32 $0x1A0;
	s8 =	smul.u32 $0x1A0, s2  }
0x6: {  	s4 =	sand.u32 $0x1, s3;
	s3 =	simm.s32 $0x0;
	s10 =	smul.u32 $0x260, s2  }
0x7: {  	s5 =	ssub.s32 $0x2, s4;
	[smem:$0x7FF] =	sst s3;
	p0 =	seq.s32 s4, $0x1  }
.Ltmp0:
0x8: {  	s9 =	sshrl.u32 s5, $0x1;
	_ =	strace $0x80000047;
	(pc) =	sbr.rel .LBB2_1-.Ltmp0, $4  }
0x9: {  	s30 =	sshrl.u32 s8, $0x3;
	s11 =	sshrl.u32 s10, $0x3;
	s4 =	sadd.s32 s8, s7  }
0xa: {  	s9 =	ssub.s32 s5, s9;
	s5 =	sadd.s32 s6, s30;
	s31 =	sadd.s32 s6, s11  }
0xb: {  	s6 =	sadd.s32 s10, s7;
	s10 =	simm.s32 $0x260;
	s11 =	simm.s32 $0x3  }
0xc: {  	s7 =	sadd.s32 $0x340, s31;
	s8 =	smax.u32 s9, $0x1;
	s9 =	simm.s32 $0x1  }
.LBB2_3:
0xd: {  	[tilespmem:s10], [sflag:$0x3] =	stream.linear.gather [spmem:s6], $0x260, $0x38;
	[tilespmem:$0x760] =	vst v63  }
0xe: {  	_ =	swait.ge [sflag:s11], $0x260  }
0xf: {  	[sflag:s11] =	ssyncset.done $0x0  }
0x10: {  	[sflag:s11] =	ssyncadd.s32 $0xFFFFFDA0  }
0x11: {  	[tilespmem:s12], [sflag:$0x2] =	stream.indirect.gather [hbm4b:s1+s10], $0x1, s10, s10, $0xb8;
	[tilespmem:$0x760] =	vst v63  }
0x12: {  	_ =	swait.ge [sflag:s13], $0x260  }
0x13: {  	[sflag:s13] =	ssyncset.done $0x0  }
0x14: {  	[sflag:s13] =	ssyncadd.s32 $0xFFFFFDA0  }
0x15: {  	v0 =	vld [tilespmem:$0x4E0]  }
0x16: {  	v1 =	vld [tilespmem:$0x4F0]  }
0x17: {  	v2 =	vld [tilespmem:$0x500]  }
0x18: {  	v3 =	vld [tilespmem:$0x510]  }
0x19: {  	v4 =	vld [tilespmem:$0x520]  }
0x1a: {  	v5 =	vld [tilespmem:$0x530];
	v0 =	vmax.f32 v0, $-1.842068100e+01  }
0x1b: {  	v6 =	vld [tilespmem:$0x540];
	v1 =	vmax.f32 v1, $-1.842068100e+01;
	v0 =	vmin.f32 v0, $0.0e+00  }
0x1c: {  	v18 =	vld [tilespmem:$0x550];
	v17 =	vmax.f32 v2, $-1.842068100e+01;
	v16 =	vmin.f32 v1, $0.0e+00;
	[tilespmem:$0x4E0] =	vst v0  }
0x1d: {  	v21 =	vld [tilespmem:$0x560];
	v20 =	vmax.f32 v3, $-1.842068100e+01;
	v19 =	vmin.f32 v17, $0.0e+00;
	[tilespmem:$0x4F0] =	vst v16  }
0x1e: {  	v24 =	vld [tilespmem:$0x570];
	v23 =	vmax.f32 v4, $-1.842068100e+01;
	v22 =	vmin.f32 v20, $0.0e+00;
	[tilespmem:$0x500] =	vst v19  }
0x1f: {  	v27 =	vld [tilespmem:$0x580];
	v26 =	vmax.f32 v5, $-1.842068100e+01;
	v25 =	vmin.f32 v23, $0.0e+00;
	[tilespmem:$0x510] =	vst v22  }
0x20: {  	v30 =	vld [tilespmem:$0x590];
	v29 =	vmax.f32 v6, $-1.842068100e+01;
	v28 =	vmin.f32 v26, $0.0e+00;
	[tilespmem:$0x520] =	vst v25  }
0x21: {  	v33 =	vld [tilespmem:$0x5A0];
	v32 =	vmax.f32 v18, $-1.842068100e+01;
	v31 =	vmin.f32 v29, $0.0e+00;
	[tilespmem:$0x530] =	vst v28  }
0x22: {  	v36 =	vld [tilespmem:$0x5B0];
	v35 =	vmax.f32 v21, $-1.842068100e+01;
	v34 =	vmin.f32 v32, $0.0e+00;
	[tilespmem:$0x540] =	vst v31  }
0x23: {  	v39 =	vld [tilespmem:$0x5C0];
	v38 =	vmax.f32 v24, $-1.842068100e+01;
	v37 =	vmin.f32 v35, $0.0e+00;
	[tilespmem:$0x550] =	vst v34  }
0x24: {  	v42 =	vld [tilespmem:$0x5D0];
	v41 =	vmax.f32 v27, $-1.842068100e+01;
	v40 =	vmin.f32 v38, $0.0e+00;
	[tilespmem:$0x560] =	vst v37  }
0x25: {  	v45 =	vld [tilespmem:$0x5E0];
	v44 =	vmax.f32 v30, $-1.842068100e+01;
	v43 =	vmin.f32 v41, $0.0e+00;
	[tilespmem:$0x570] =	vst v40  }
0x26: {  	v48 =	vld [tilespmem:$0x5F0];
	v47 =	vmax.f32 v33, $-1.842068100e+01;
	v46 =	vmin.f32 v44, $0.0e+00;
	[tilespmem:$0x580] =	vst v43  }
0x27: {  	v51 =	vld [tilespmem:$0x600];
	v50 =	vmax.f32 v36, $-1.842068100e+01;
	v49 =	vmin.f32 v47, $0.0e+00;
	[tilespmem:$0x590] =	vst v46  }
0x28: {  	v54 =	vld [tilespmem:$0x610];
	v53 =	vmax.f32 v39, $-1.842068100e+01;
	v52 =	vmin.f32 v50, $0.0e+00;
	[tilespmem:$0x5A0] =	vst v49  }
0x29: {  	v57 =	vld [tilespmem:$0x620];
	v56 =	vmax.f32 v42, $-1.842068100e+01;
	v55 =	vmin.f32 v53, $0.0e+00;
	[tilespmem:$0x5B0] =	vst v52  }
0x2a: {  	v60 =	vld [tilespmem:$0x630];
	v59 =	vmax.f32 v45, $-1.842068100e+01;
	v58 =	vmin.f32 v56, $0.0e+00;
	[tilespmem:$0x5C0] =	vst v55  }
0x2b: {  	v63 =	vld [tilespmem:$0x640];
	v62 =	vmax.f32 v48, $-1.842068100e+01;
	v61 =	vmin.f32 v59, $0.0e+00;
	[tilespmem:$0x5D0] =	vst v58  }
0x2c: {  	v10 =	vld [tilespmem:$0x650];
	v9 =	vmax.f32 v51, $-1.842068100e+01;
	v8 =	vmin.f32 v62, $0.0e+00;
	[tilespmem:$0x5E0] =	vst v61  }
0x2d: {  	v13 =	vld [tilespmem:$0x660];
	v12 =	vmax.f32 v54, $-1.842068100e+01;
	v11 =	vmin.f32 v9, $0.0e+00;
	[tilespmem:$0x5F0] =	vst v8  }
0x2e: {  	v15 =	vmax.f32 v57, $-1.842068100e+01;
	v14 =	vmin.f32 v12, $0.0e+00;
	[tilespmem:$0x600] =	vst v11;
	v16 =	vld [tilespmem:$0x670]  }
0x2f: {  	v18 =	vmax.f32 v60, $-1.842068100e+01;
	v17 =	vmin.f32 v15, $0.0e+00;
	[tilespmem:$0x610] =	vst v14;
	v19 =	vld [tilespmem:$0x680]  }
0x30: {  	v21 =	vmax.f32 v63, $-1.842068100e+01;
	v20 =	vmin.f32 v18, $0.0e+00;
	[tilespmem:$0x620] =	vst v17;
	v22 =	vld [tilespmem:$0x690]  }
0x31: {  	v24 =	vmax.f32 v10, $-1.842068100e+01;
	v23 =	vmin.f32 v21, $0.0e+00;
	[tilespmem:$0x630] =	vst v20;
	v25 =	vld [tilespmem:$0x6A0]  }
0x32: {  	v27 =	vmax.f32 v13, $-1.842068100e+01;
	v26 =	vmin.f32 v24, $0.0e+00;
	[tilespmem:$0x640] =	vst v23;
	v28 =	vld [tilespmem:$0x6B0]  }
0x33: {  	v29 =	vmin.f32 v27, $0.0e+00;
	[tilespmem:$0x650] =	vst v26;
	v31 =	vld [tilespmem:$0x6C0];
	v30 =	vmax.f32 v16, $-1.842068100e+01  }
0x34: {  	[tilespmem:$0x660] =	vst v29;
	v34 =	vld [tilespmem:$0x6D0];
	v33 =	vmax.f32 v19, $-1.842068100e+01;
	v32 =	vmin.f32 v30, $0.0e+00  }
0x35: {  	v37 =	vld [tilespmem:$0x6E0];
	v36 =	vmax.f32 v22, $-1.842068100e+01;
	v35 =	vmin.f32 v33, $0.0e+00;
	[tilespmem:$0x670] =	vst v32  }
0x36: {  	v40 =	vld [tilespmem:$0x6F0];
	v39 =	vmax.f32 v25, $-1.842068100e+01;
	v38 =	vmin.f32 v36, $0.0e+00;
	[tilespmem:$0x680] =	vst v35  }
0x37: {  	v43 =	vld [tilespmem:$0x700];
	v42 =	vmax.f32 v28, $-1.842068100e+01;
	v41 =	vmin.f32 v39, $0.0e+00;
	[tilespmem:$0x690] =	vst v38  }
0x38: {  	v46 =	vld [tilespmem:$0x710];
	v45 =	vmax.f32 v31, $-1.842068100e+01;
	v44 =	vmin.f32 v42, $0.0e+00;
	[tilespmem:$0x6A0] =	vst v41  }
0x39: {  	v49 =	vld [tilespmem:$0x720];
	v48 =	vmax.f32 v34, $-1.842068100e+01;
	v47 =	vmin.f32 v45, $0.0e+00;
	[tilespmem:$0x6B0] =	vst v44  }
0x3a: {  	v52 =	vld [tilespmem:$0x730];
	v51 =	vmax.f32 v37, $-1.842068100e+01;
	v50 =	vmin.f32 v48, $0.0e+00;
	[tilespmem:$0x6C0] =	vst v47  }
0x3b: {  	v54 =	vmax.f32 v40, $-1.842068100e+01;
	v53 =	vmin.f32 v51, $0.0e+00;
	[tilespmem:$0x6D0] =	vst v50  }
0x3c: {  	v56 =	vmax.f32 v43, $-1.842068100e+01;
	v55 =	vmin.f32 v54, $0.0e+00;
	[tilespmem:$0x6E0] =	vst v53  }
0x3d: {  	v58 =	vmax.f32 v46, $-1.842068100e+01;
	v57 =	vmin.f32 v56, $0.0e+00;
	[tilespmem:$0x6F0] =	vst v55  }
0x3e: {  	v60 =	vmax.f32 v49, $-1.842068100e+01;
	v59 =	vmin.f32 v58, $0.0e+00;
	[tilespmem:$0x700] =	vst v57  }
0x3f: {  	v62 =	vmax.f32 v52, $-1.842068100e+01;
	v61 =	vmin.f32 v60, $0.0e+00;
	[tilespmem:$0x710] =	vst v59  }
0x40: {  	v63 =	vmin.f32 v62, $0.0e+00;
	[tilespmem:$0x720] =	vst v61  }
0x41: {  	[tilespmem:$0x730] =	vst v63  }
0x42: {  	[hbm4b:s7+s3] =	stream.linear.scatter [tilespmem:s12], [sflag:$0x3], $0x260, $0x38;
	[tilespmem:$0x760] =	vst v63  }
0x43: {  	_ =	swait.ge [sflag:s11], $0x260  }
0x44: {  	[sflag:s11] =	ssyncset.done $0x0  }
0x45: {  	[sflag:s11] =	ssyncadd.s32 $0xFFFFFDA0  }
.LBB2_4:
0x46: {  	s8 =	sadd.s32 $0xFFFFFFFF, s8  }
0x47: {  	p1 =	sne.s32 s8, $0x0  }
.Ltmp1:
0x48: {  	_ = 	snop;
	(pc) =	sbr.rel @!p1 .LBB2_5-.Ltmp1, $1  }
0x49: {  	_ =	sdelay $0x3  }
.LBB2_1:
.Ltmp2:
0x4a: {  	(pc) =	sbr.rel @p0 .LBB2_3-.Ltmp2, $4  }
0x4b: {  	_ = 	snop  }
0x4c: {  	_ =	swait.ge [sflag:s9], $0x1  }
0x4d: {  	[sflag:s9] =	ssyncset.done $0x0  }
0x4e: {  	[sflag:s9] =	ssyncadd.s32 $0xFFFFFFFF  }
0x4f: {  	[tilespmem:s10], [sflag:$0x3] =	stream.linear.gather [spmem:s4], $0x1A0, $0x38;
	[tilespmem:$0x760] =	vst v63  }
0x50: {  	_ =	swait.ge [sflag:s11], $0x1A0  }
0x51: {  	[sflag:s11] =	ssyncset.done $0x0  }
0x52: {  	[sflag:s11] =	ssyncadd.s32 $0xFFFFFE60  }
0x53: {  	[tilespmem:s12], [sflag:$0x2] =	stream.indirect.gather [hbm4b:s1+s14], $0x1, s10, s14, $0xb8;
	[tilespmem:$0x760] =	vst v63  }
0x54: {  	_ =	swait.ge [sflag:s13], $0x1A0  }
0x55: {  	[sflag:s13] =	ssyncset.done $0x0  }
0x56: {  	[sflag:s13] =	ssyncadd.s32 $0xFFFFFE60  }
0x57: {  	v0 =	vld [tilespmem:$0x4E0]  }
0x58: {  	v1 =	vld [tilespmem:$0x4F0]  }
0x59: {  	v2 =	vld [tilespmem:$0x500]  }
0x5a: {  	v3 =	vld [tilespmem:$0x510]  }
0x5b: {  	v4 =	vld [tilespmem:$0x520]  }
0x5c: {  	v5 =	vld [tilespmem:$0x530];
	v0 =	vmax.f32 v0, $-1.842068100e+01  }
0x5d: {  	v6 =	vld [tilespmem:$0x540];
	v1 =	vmax.f32 v1, $-1.842068100e+01;
	v0 =	vmin.f32 v0, $0.0e+00  }
0x5e: {  	v53 =	vld [tilespmem:$0x550];
	v52 =	vmax.f32 v2, $-1.842068100e+01;
	v51 =	vmin.f32 v1, $0.0e+00;
	[tilespmem:$0x4E0] =	vst v0  }
0x5f: {  	v56 =	vld [tilespmem:$0x560];
	v55 =	vmax.f32 v3, $-1.842068100e+01;
	v54 =	vmin.f32 v52, $0.0e+00;
	[tilespmem:$0x4F0] =	vst v51  }
0x60: {  	v59 =	vld [tilespmem:$0x570];
	v58 =	vmax.f32 v4, $-1.842068100e+01;
	v57 =	vmin.f32 v55, $0.0e+00;
	[tilespmem:$0x500] =	vst v54  }
0x61: {  	v62 =	vld [tilespmem:$0x580];
	v61 =	vmax.f32 v5, $-1.842068100e+01;
	v60 =	vmin.f32 v58, $0.0e+00;
	[tilespmem:$0x510] =	vst v57  }
0x62: {  	v10 =	vld [tilespmem:$0x590];
	v9 =	vmax.f32 v6, $-1.842068100e+01;
	v63 =	vmin.f32 v61, $0.0e+00;
	[tilespmem:$0x520] =	vst v60  }
0x63: {  	v13 =	vld [tilespmem:$0x5A0];
	v12 =	vmax.f32 v53, $-1.842068100e+01;
	v11 =	vmin.f32 v9, $0.0e+00;
	[tilespmem:$0x530] =	vst v63  }
0x64: {  	v16 =	vld [tilespmem:$0x5B0];
	v15 =	vmax.f32 v56, $-1.842068100e+01;
	v14 =	vmin.f32 v12, $0.0e+00;
	[tilespmem:$0x540] =	vst v11  }
0x65: {  	v19 =	vld [tilespmem:$0x5C0];
	v18 =	vmax.f32 v59, $-1.842068100e+01;
	v17 =	vmin.f32 v15, $0.0e+00;
	[tilespmem:$0x550] =	vst v14  }
0x66: {  	v22 =	vld [tilespmem:$0x5D0];
	v21 =	vmax.f32 v62, $-1.842068100e+01;
	v20 =	vmin.f32 v18, $0.0e+00;
	[tilespmem:$0x560] =	vst v17  }
0x67: {  	v25 =	vld [tilespmem:$0x5E0];
	v24 =	vmax.f32 v10, $-1.842068100e+01;
	v23 =	vmin.f32 v21, $0.0e+00;
	[tilespmem:$0x570] =	vst v20  }
0x68: {  	v28 =	vld [tilespmem:$0x5F0];
	v27 =	vmax.f32 v13, $-1.842068100e+01;
	v26 =	vmin.f32 v24, $0.0e+00;
	[tilespmem:$0x580] =	vst v23  }
0x69: {  	v31 =	vld [tilespmem:$0x600];
	v30 =	vmax.f32 v16, $-1.842068100e+01;
	v29 =	vmin.f32 v27, $0.0e+00;
	[tilespmem:$0x590] =	vst v26  }
0x6a: {  	v34 =	vld [tilespmem:$0x610];
	v33 =	vmax.f32 v19, $-1.842068100e+01;
	v32 =	vmin.f32 v30, $0.0e+00;
	[tilespmem:$0x5A0] =	vst v29  }
0x6b: {  	v43 =	vld [tilespmem:$0x640];
	v36 =	vmax.f32 v22, $-1.842068100e+01;
	v35 =	vmin.f32 v33, $0.0e+00;
	[tilespmem:$0x5B0] =	vst v32  }
0x6c: {  	v46 =	vld [tilespmem:$0x650];
	v39 =	vmax.f32 v25, $-1.842068100e+01;
	v38 =	vmin.f32 v36, $0.0e+00;
	[tilespmem:$0x5C0] =	vst v35  }
0x6d: {  	v37 =	vld [tilespmem:$0x620];
	v42 =	vmax.f32 v28, $-1.842068100e+01;
	v41 =	vmin.f32 v39, $0.0e+00;
	[tilespmem:$0x5D0] =	vst v38  }
0x6e: {  	v40 =	vld [tilespmem:$0x630];
	v45 =	vmax.f32 v31, $-1.842068100e+01;
	v44 =	vmin.f32 v42, $0.0e+00;
	[tilespmem:$0x5E0] =	vst v41  }
0x6f: {  	v49 =	vld [tilespmem:$0x660];
	v48 =	vmax.f32 v34, $-1.842068100e+01;
	v47 =	vmin.f32 v45, $0.0e+00;
	[tilespmem:$0x5F0] =	vst v44  }
0x70: {  	v56 =	vmax.f32 v43, $-1.842068100e+01;
	v50 =	vmin.f32 v48, $0.0e+00;
	v52 =	vld [tilespmem:$0x670];
	[tilespmem:$0x600] =	vst v47  }
0x71: {  	v58 =	vmax.f32 v46, $-1.842068100e+01;
	[tilespmem:$0x610] =	vst v50;
	v57 =	vmin.f32 v56, $0.0e+00  }
0x72: {  	v51 =	vmax.f32 v37, $-1.842068100e+01;
	v59 =	vmin.f32 v58, $0.0e+00;
	[tilespmem:$0x640] =	vst v57  }
0x73: {  	v54 =	vmax.f32 v40, $-1.842068100e+01;
	v53 =	vmin.f32 v51, $0.0e+00;
	[tilespmem:$0x650] =	vst v59  }
0x74: {  	v60 =	vmax.f32 v49, $-1.842068100e+01;
	v55 =	vmin.f32 v54, $0.0e+00;
	[tilespmem:$0x620] =	vst v53  }
0x75: {  	v61 =	vmin.f32 v60, $0.0e+00;
	[tilespmem:$0x630] =	vst v55;
	v62 =	vmax.f32 v52, $-1.842068100e+01  }
0x76: {  	[tilespmem:$0x660] =	vst v61;
	v63 =	vmin.f32 v62, $0.0e+00  }
.Ltmp3:
0x77: {  	[tilespmem:$0x670] =	vst v63;
	(pc) =	sbr.rel .LBB2_4-.Ltmp3, $4  }
0x78: {  	[hbm4b:s5+s3] =	stream.linear.scatter [tilespmem:s12], [sflag:$0x3], $0x1A0, $0x38;
	[tilespmem:$0x760] =	vst v63  }
0x79: {  	_ =	swait.ge [sflag:s11], $0x1A0  }
0x7a: {  	[sflag:s11] =	ssyncset.done $0x0  }
0x7b: {  	[sflag:s11] =	ssyncadd.s32 $0xFFFFFE60  }
.LBB2_5:
0x7c: {  	_ =	sfence.sel $0x180000  }
0x7d: {  	[bflag:$0x0] =	sbarrier.arrive $0xFFFF  }
0x7e: {  	p0 =	sne.s32 s2, $0x0;
	_ =	strace $0x90000047  }
0x7f: {  	s0 =	sadd.s32 @!p0 $0x100000, s0;
	[bflag:$0x2] =	sbarrier.arrive $0xFFFF  }
0x80: {  	[sflag:s0] =	ssyncadd.tile.s32 @!p0 $0x1;
	_ =	shalt  }
.Lfunc_end2:
_tile_overlayer_lowered:
.L_overlay_start_2:
0x81: {  	(tag) =	ssettag $0x2  }
0x82: {  	s0 =	rddreg [dreg:$0x0];
	s2 =	stileid.u32  }
0x83: {  	s1 =	rddreg [dreg:$0x1];
	p0 =	sne.s32 s2, $0x0  }
0x84: {  	s3 =	rddreg [dreg:$0x2];
	[bflag:$0x3] =	sbarrier.arrive $0xFFFF;
	s2 =	simm.s32 @!p0 $0x1C03  }
0x85: {  	[timem:s3], [sflag:s2] =	dma.local @!p0 [hbm:s0], s1  }
0x86: {  	s0 =	simm.s32 @!p0 $0x3  }
0x87: {  	_ =	swait.ge @!p0 [sflag:s0], s1  }
0x88: {  	s1 =	ssub.s32 @!p0 $0x0, s1;
	[sflag:s0] =	ssyncset.done @!p0 $0x0  }
0x89: {  	[sflag:s0] =	ssyncadd.s32 @!p0 s1  }
0x8a: {  	[bflag:$0x3] =	sbarrier.arrive $0xFFFF  }
0x8b: {  	_ =	shalt  }

</sc_bundles>
